<compile_context>
chip_gen: v7x
topology: tpu7x:2x2x1
jax: 0.10.2.dev20260603
libtpu: 0.0.44.dev20260713+nightly
codegen_flags: <defaults>
</compile_context>

<pallas_src>
import functools

import jax
import jax.numpy as jnp
from jax import lax
from jax.experimental import pallas as pl
from jax.experimental.pallas import tpu as pltpu
from jax.experimental.pallas import tpu_sc as plsc

_NC = 2
_NS = 16
_NW = _NC * _NS

_HIDDEN = 128
_IW = 128
_K = 2
_CHUNK = _K * _IW
_NB = 3


def _table_body(emb_ref, w_ref, b_ref, out_ref):
    out_ref[...] = (
        lax.dot_general(
            emb_ref[...],
            w_ref[...],
            (((1,), (1,)), ((), ())),
            preferred_element_type=jnp.float32,
        )
        + b_ref[...]
    )


def _make_table(emb, W, b):
    return pl.pallas_call(
        _table_body,
        out_shape=jax.ShapeDtypeStruct((emb.shape[0], W.shape[0]), jnp.float32),
    )(emb, W, b.reshape(1, -1))


def _gather_body(n_big, table_hbm, idx_hbm, out_hbm, table_s, idx_v, rows_v, gsem, wsem):
    sid = lax.axis_index("s")
    wid = sid * _NC + lax.axis_index("c")
    n_rows = n_big * _K
    @pl.when(sid == 0)
    def _stage_table():
        pltpu.sync_copy(table_hbm, table_s)

    pltpu.sync_copy(idx_hbm.at[pl.ds(wid * n_rows, n_rows)], idx_v)
    plsc.subcore_barrier()
    base = wid * n_rows

    def g_start(j, b):
        for k in range(_K):
            pltpu.async_copy(
                table_s.at[idx_v.at[j * _K + k]], rows_v.at[b, k], gsem.at[b]
            )

    def g_wait(j, b):
        for k in range(_K):
            pltpu.make_async_copy(
                table_s.at[idx_v.at[j * _K + k]], rows_v.at[b, k], gsem.at[b]
            ).wait()

    def w_start(j, b):
        pltpu.async_copy(
            rows_v.at[b], out_hbm.at[pl.ds(base + j * _K, _K)], wsem.at[b]
        )

    def w_wait(j, b):
        pltpu.make_async_copy(
            rows_v.at[b], out_hbm.at[pl.ds(base + j * _K, _K)], wsem.at[b]
        ).wait()

    g_start(0, 0)
    for j in range(_NB):
        g_wait(j, j)
        w_start(j, j)
        if j < _NB - 1:
            g_start(j + 1, j + 1)
    w_wait(0, 0)
    g_start(_NB, 0)

    def grp(j2, carry):
        for u in range(_NB):
            j = j2 * _NB + u
            bn = (u + 1) % _NB
            g_wait(j, u)
            w_start(j, u)
            w_wait(j - (_NB - 1), bn)
            g_start(j + 1, bn)
        return carry

    n_grp = (n_big - 1) // _NB
    lax.fori_loop(1, n_grp, grp, 0)

    for j in range(n_grp * _NB, n_big):
        u = j % _NB
        bn = (u + 1) % _NB
        g_wait(j, u)
        w_start(j, u)
        if j < n_big - 1:
            w_wait(j - (_NB - 1), bn)
            g_start(j + 1, bn)
    for j in range(n_big - _NB, n_big):
        w_wait(j, j % _NB)


def _gather(table, idx2):
    total_rows = idx2.shape[0]
    n_big = total_rows // (_NW * _K)
    mesh = plsc.VectorSubcoreMesh(
        core_axis_name="c", subcore_axis_name="s", num_cores=_NC, num_subcores=_NS
    )
    return pl.kernel(
        functools.partial(_gather_body, n_big),
        out_type=jax.ShapeDtypeStruct((total_rows, _IW, _HIDDEN), jnp.float32),
        mesh=mesh,
        scratch_types=[
            pltpu.VMEM_SHARED((_HIDDEN, _HIDDEN), jnp.float32),
            pltpu.VMEM((n_big * _K, _IW), jnp.int32),
            pltpu.VMEM((_NB, _K, _IW, _HIDDEN), jnp.float32),
            pltpu.SemaphoreType.DMA((_NB,)),
            pltpu.SemaphoreType.DMA((_NB,)),
        ],
    )(table, idx2)


def kernel(x, emb, W, b):
    batch, hist = x.shape
    total = batch * hist
    idx2 = x.reshape(total // _IW, _IW).astype(jnp.int32)
    table = _make_table(emb, W, b)
    out = _gather(table, idx2)
    return out.reshape(batch, hist, _HIDDEN)

# --- scband reference (transcript-rebuilt; emitter-appended) ---
"""Pipeline reference for scband-dummy-model-48893907697771 (READ-ONLY COPY).

The authoritative reference and input builder live on the scoring server;
editing this copy changes nothing except your own understanding.
"""

import jax, jax.numpy as jnp
import numpy as np

INPUT_SIZE = 128
HIDDEN_SIZE = 128
BATCH = 4096
HIST = 200

def setup_inputs(seed: int = 0) -> dict:
    key = jax.random.key(seed)
    k_x, k_emb, k_w, k_b = jax.random.split(key, 4)
    x = jax.random.randint(k_x, (BATCH, HIST), 0, INPUT_SIZE, dtype=jnp.int64)
    # nn.Embedding(input_size, hidden_size) weight: [input_size, hidden_size]
    emb = jax.random.normal(k_emb, (INPUT_SIZE, HIDDEN_SIZE), dtype=jnp.float32)
    # nn.Linear(input_size, hidden_size): weight [hidden_size, input_size], bias [hidden_size]
    bound = 1.0 / np.sqrt(INPUT_SIZE)
    W = jax.random.uniform(k_w, (HIDDEN_SIZE, INPUT_SIZE), dtype=jnp.float32, minval=-bound, maxval=bound)
    b = jax.random.uniform(k_b, (HIDDEN_SIZE,), dtype=jnp.float32, minval=-bound, maxval=bound)
    return {"x": x, "emb": emb, "W": W, "b": b}

def reference(x, emb, W, b):
    # y = self.encoder(x)  -> embedding gather
    y = jnp.take(emb, x, axis=0)  # [B, L, hidden]
    # z = self.decoder(y)  -> linear (requires hidden == input_size)
    z = jnp.matmul(y, W.T) + b    # [B, L, hidden]
    return z

if __name__ == "__main__":
    import jax
    _d = setup_inputs()
    print(jax.jit(kernel)(*tuple(_d.values())))

</pallas_src>

<mosaic_0001>
#map = affine_map<(d0, d1) -> (0, 0)>
#map1 = affine_map<(d0, d1) -> (0, 0, 0)>
module attributes {stable_mosaic.version = 14 : i64} {
  func.func @_gather_body(%arg0: i32, %arg1: i32, %arg2: memref<128x128xf32, #tpu.memory_space<hbm>>, %arg3: memref<6400x128xi32, #tpu.memory_space<hbm>>, %arg4: memref<6400x128x128xf32, #tpu.memory_space<hbm>>, %arg5: memref<128x128xf32, #tpu.memory_space<vmem_shared>>, %arg6: memref<200x128xi32, #tpu.memory_space<vmem>>, %arg7: memref<3x2x128x128xf32, #tpu.memory_space<vmem>>, %arg8: memref<3x!tpu.dma_semaphore, #tpu.memory_space<semaphore_mem>>, %arg9: memref<3x!tpu.dma_semaphore, #tpu.memory_space<semaphore_mem>>) attributes {dimension_semantics = [#tpu.dimension_semantics<core_parallel>, #tpu.dimension_semantics<subcore_parallel>], iteration_bounds = array<i64: 2, 16>, scalar_prefetch = 0 : i64, scratch_operands = 5 : i64, tpu.core_type = #tpu.core_type<sc_vector_subcore>, window_params = [{transform_indices = #map}, {transform_indices = #map}, {transform_indices = #map1}]} {
    %mul3A = arith.constant 2 : i32
    %mul3A_0 = arith.muli %arg1, %mul3A : i32
    %add3A = arith.addi %mul3A_0, %arg0 : i32
    %eq3A = arith.constant 0 : i32
    %eq3A_1 = arith.cmpi eq, %arg1, %eq3A : i32
    %convert_element_type3A = arith.extui %eq3A_1 : i1 to i32
    %cond3A = arith.constant 0 : i32
    %cond3A_2 = arith.cmpi ne, %convert_element_type3A, %cond3A : i32
    scf.if %cond3A_2 {
      "tpu.region"() ({
        %run_scoped3A = tpu.sem_alloc : memref<!tpu.dma_semaphore, #tpu.memory_space<semaphore_mem>>
        tpu.enqueue_dma source(%arg2 : memref<128x128xf32, #tpu.memory_space<hbm>>) target(%arg5 : memref<128x128xf32, #tpu.memory_space<vmem_shared>>) target_semaphore(%run_scoped3A : memref<!tpu.dma_semaphore, #tpu.memory_space<semaphore_mem>>)
        tpu.wait_dma2 semaphore(%run_scoped3A : memref<!tpu.dma_semaphore, #tpu.memory_space<semaphore_mem>>) src(%arg2 : memref<128x128xf32, #tpu.memory_space<hbm>>) dst(%arg5 : memref<128x128xf32, #tpu.memory_space<vmem_shared>>)
        tpu.yield
      }) : () -> ()
    } else {
    }
    %mul3A_3 = arith.constant 200 : i32
    %mul3A_4 = arith.muli %add3A, %mul3A_3 : i32
    "tpu.region"() ({
      %run_scoped3A = tpu.sem_alloc : memref<!tpu.dma_semaphore, #tpu.memory_space<semaphore_mem>>
      %dma_start3A_442 = arith.constant 0 : i32
      %dma_start3A_443 = tpu.memref_slice %arg3[%mul3A_4, %dma_start3A_442] : memref<6400x128xi32, #tpu.memory_space<hbm>> -> memref<200x128xi32, #tpu.memory_space<hbm>>
      %dma_start3A_444 = arith.constant 0 : i32
      %dma_start3A_445 = tpu.memref_slice %arg3[%mul3A_4, %dma_start3A_444] : memref<6400x128xi32, #tpu.memory_space<hbm>> -> memref<200x128xi32, #tpu.memory_space<hbm>>
      tpu.enqueue_dma source(%dma_start3A_445 : memref<200x128xi32, #tpu.memory_space<hbm>>) target(%arg6 : memref<200x128xi32, #tpu.memory_space<vmem>>) target_semaphore(%run_scoped3A : memref<!tpu.dma_semaphore, #tpu.memory_space<semaphore_mem>>)
      %dma_wait3A_446 = arith.constant 0 : i32
      %dma_wait3A_447 = tpu.memref_slice %arg3[%mul3A_4, %dma_wait3A_446] : memref<6400x128xi32, #tpu.memory_space<hbm>> -> memref<200x128xi32, #tpu.memory_space<hbm>>
      %dma_wait3A_448 = arith.constant 0 : i32
      %dma_wait3A_449 = tpu.memref_slice %arg3[%mul3A_4, %dma_wait3A_448] : memref<6400x128xi32, #tpu.memory_space<hbm>> -> memref<200x128xi32, #tpu.memory_space<hbm>>
      tpu.wait_dma2 semaphore(%run_scoped3A : memref<!tpu.dma_semaphore, #tpu.memory_space<semaphore_mem>>) src(%dma_wait3A_449 : memref<200x128xi32, #tpu.memory_space<hbm>>) dst(%arg6 : memref<200x128xi32, #tpu.memory_space<vmem>>)
      tpu.yield
    }) : () -> ()
    %barrier3A = arith.constant 0 : index
    tpu.barrier barrier_id(%barrier3A)
    %mul3A_5 = arith.constant 200 : i32
    %mul3A_6 = arith.muli %add3A, %mul3A_5 : i32
    %dma_start3A = arith.constant 0 : i32
    %dma_start3A_7 = arith.constant 0 : i32
    %dma_start3A_8 = arith.constant 0 : i32
    %dma_start3A_9 = arith.constant 0 : i32
    %dma_start3A_10 = arith.constant 0 : i32
    %dma_start3A_11 = arith.constant 0 : i32
    %dma_start3A_12 = tpu.memref_slice %arg7[%dma_start3A_7, %dma_start3A_8, %dma_start3A_10, %dma_start3A_11] : memref<3x2x128x128xf32, #tpu.memory_space<vmem>> -> memref<1x1x128x128xf32, #tpu.memory_space<vmem>>
    %dma_start3A_13 = tpu.memref_squeeze %dma_start3A_12 : memref<1x1x128x128xf32, #tpu.memory_space<vmem>> -> memref<128x128xf32, #tpu.memory_space<vmem>>
    %dma_start3A_14 = arith.constant 0 : i32
    %dma_start3A_15 = tpu.memref_slice %arg6[%dma_start3A, %dma_start3A_14] : memref<200x128xi32, #tpu.memory_space<vmem>> -> memref<1x128xi32, #tpu.memory_space<vmem>>
    %dma_start3A_16 = tpu.memref_squeeze %dma_start3A_15 : memref<1x128xi32, #tpu.memory_space<vmem>> -> memref<128xi32, #tpu.memory_space<vmem>>
    %dma_start3A_17 = arith.constant 0 : i32
    %dma_start3A_18 = arith.constant 0 : i32
    %dma_start3A_19 = tpu.memref_slice %arg5[%dma_start3A_17, %dma_start3A_18] : memref<128x128xf32, #tpu.memory_space<vmem_shared>> -> memref<128x128xf32, #tpu.memory_space<vmem_shared>>
    %dma_start3A_20 = tpu.memref_slice %arg8[%dma_start3A_9] : memref<3x!tpu.dma_semaphore, #tpu.memory_space<semaphore_mem>> -> memref<1x!tpu.dma_semaphore, #tpu.memory_space<semaphore_mem>>
    %dma_start3A_21 = tpu.memref_squeeze %dma_start3A_20 : memref<1x!tpu.dma_semaphore, #tpu.memory_space<semaphore_mem>> -> memref<!tpu.dma_semaphore, #tpu.memory_space<semaphore_mem>>
    tpu.enqueue_indirect_dma source(%dma_start3A_19 : memref<128x128xf32, #tpu.memory_space<vmem_shared>>) target(%dma_start3A_13 : memref<128x128xf32, #tpu.memory_space<vmem>>) offsets(%dma_start3A_16 : memref<128xi32, #tpu.memory_space<vmem>>) semaphore(%dma_start3A_21 : memref<!tpu.dma_semaphore, #tpu.memory_space<semaphore_mem>>)
    %dma_start3A_22 = arith.constant 1 : i32
    %dma_start3A_23 = arith.constant 0 : i32
    %dma_start3A_24 = arith.constant 1 : i32
    %dma_start3A_25 = arith.constant 0 : i32
    %dma_start3A_26 = arith.constant 0 : i32
    %dma_start3A_27 = arith.constant 0 : i32
    %dma_start3A_28 = tpu.memref_slice %arg7[%dma_start3A_23, %dma_start3A_24, %dma_start3A_26, %dma_start3A_27] : memref<3x2x128x128xf32, #tpu.memory_space<vmem>> -> memref<1x1x128x128xf32, #tpu.memory_space<vmem>>
    %dma_start3A_29 = tpu.memref_squeeze %dma_start3A_28 : memref<1x1x128x128xf32, #tpu.memory_space<vmem>> -> memref<128x128xf32, #tpu.memory_space<vmem>>
    %dma_start3A_30 = arith.constant 0 : i32
    %dma_start3A_31 = tpu.memref_slice %arg6[%dma_start3A_22, %dma_start3A_30] : memref<200x128xi32, #tpu.memory_space<vmem>> -> memref<1x128xi32, #tpu.memory_space<vmem>>
    %dma_start3A_32 = tpu.memref_squeeze %dma_start3A_31 : memref<1x128xi32, #tpu.memory_space<vmem>> -> memref<128xi32, #tpu.memory_space<vmem>>
    %dma_start3A_33 = arith.constant 0 : i32
    %dma_start3A_34 = arith.constant 0 : i32
    %dma_start3A_35 = tpu.memref_slice %arg5[%dma_start3A_33, %dma_start3A_34] : memref<128x128xf32, #tpu.memory_space<vmem_shared>> -> memref<128x128xf32, #tpu.memory_space<vmem_shared>>
    %dma_start3A_36 = tpu.memref_slice %arg8[%dma_start3A_25] : memref<3x!tpu.dma_semaphore, #tpu.memory_space<semaphore_mem>> -> memref<1x!tpu.dma_semaphore, #tpu.memory_space<semaphore_mem>>
    %dma_start3A_37 = tpu.memref_squeeze %dma_start3A_36 : memref<1x!tpu.dma_semaphore, #tpu.memory_space<semaphore_mem>> -> memref<!tpu.dma_semaphore, #tpu.memory_space<semaphore_mem>>
    tpu.enqueue_indirect_dma source(%dma_start3A_35 : memref<128x128xf32, #tpu.memory_space<vmem_shared>>) target(%dma_start3A_29 : memref<128x128xf32, #tpu.memory_space<vmem>>) offsets(%dma_start3A_32 : memref<128xi32, #tpu.memory_space<vmem>>) semaphore(%dma_start3A_37 : memref<!tpu.dma_semaphore, #tpu.memory_space<semaphore_mem>>)
    %dma_wait3A = arith.constant 0 : i32
    %dma_wait3A_38 = arith.constant 0 : i32
    %dma_wait3A_39 = arith.constant 0 : i32
    %dma_wait3A_40 = arith.constant 0 : i32
    %dma_wait3A_41 = arith.constant 0 : i32
    %dma_wait3A_42 = arith.constant 0 : i32
    %dma_wait3A_43 = tpu.memref_slice %arg7[%dma_wait3A_38, %dma_wait3A_39, %dma_wait3A_41, %dma_wait3A_42] : memref<3x2x128x128xf32, #tpu.memory_space<vmem>> -> memref<1x1x128x128xf32, #tpu.memory_space<vmem>>
    %dma_wait3A_44 = tpu.memref_squeeze %dma_wait3A_43 : memref<1x1x128x128xf32, #tpu.memory_space<vmem>> -> memref<128x128xf32, #tpu.memory_space<vmem>>
    %dma_wait3A_45 = arith.constant 0 : i32
    %dma_wait3A_46 = tpu.memref_slice %arg6[%dma_wait3A, %dma_wait3A_45] : memref<200x128xi32, #tpu.memory_space<vmem>> -> memref<1x128xi32, #tpu.memory_space<vmem>>
    %dma_wait3A_47 = tpu.memref_squeeze %dma_wait3A_46 : memref<1x128xi32, #tpu.memory_space<vmem>> -> memref<128xi32, #tpu.memory_space<vmem>>
    %dma_wait3A_48 = arith.constant 0 : i32
    %dma_wait3A_49 = arith.constant 0 : i32
    %dma_wait3A_50 = tpu.memref_slice %arg5[%dma_wait3A_48, %dma_wait3A_49] : memref<128x128xf32, #tpu.memory_space<vmem_shared>> -> memref<128x128xf32, #tpu.memory_space<vmem_shared>>
    %dma_wait3A_51 = tpu.memref_slice %arg8[%dma_wait3A_40] : memref<3x!tpu.dma_semaphore, #tpu.memory_space<semaphore_mem>> -> memref<1x!tpu.dma_semaphore, #tpu.memory_space<semaphore_mem>>
    %dma_wait3A_52 = tpu.memref_squeeze %dma_wait3A_51 : memref<1x!tpu.dma_semaphore, #tpu.memory_space<semaphore_mem>> -> memref<!tpu.dma_semaphore, #tpu.memory_space<semaphore_mem>>
    tpu.wait_indirect_dma semaphore(%dma_wait3A_52 : memref<!tpu.dma_semaphore, #tpu.memory_space<semaphore_mem>>) src(%dma_wait3A_50 : memref<128x128xf32, #tpu.memory_space<vmem_shared>>) dst(%dma_wait3A_44 : memref<128x128xf32, #tpu.memory_space<vmem>>)
    %dma_wait3A_53 = arith.constant 1 : i32
    %dma_wait3A_54 = arith.constant 0 : i32
    %dma_wait3A_55 = arith.constant 1 : i32
    %dma_wait3A_56 = arith.constant 0 : i32
    %dma_wait3A_57 = arith.constant 0 : i32
    %dma_wait3A_58 = arith.constant 0 : i32
    %dma_wait3A_59 = tpu.memref_slice %arg7[%dma_wait3A_54, %dma_wait3A_55, %dma_wait3A_57, %dma_wait3A_58] : memref<3x2x128x128xf32, #tpu.memory_space<vmem>> -> memref<1x1x128x128xf32, #tpu.memory_space<vmem>>
    %dma_wait3A_60 = tpu.memref_squeeze %dma_wait3A_59 : memref<1x1x128x128xf32, #tpu.memory_space<vmem>> -> memref<128x128xf32, #tpu.memory_space<vmem>>
    %dma_wait3A_61 = arith.constant 0 : i32
    %dma_wait3A_62 = tpu.memref_slice %arg6[%dma_wait3A_53, %dma_wait3A_61] : memref<200x128xi32, #tpu.memory_space<vmem>> -> memref<1x128xi32, #tpu.memory_space<vmem>>
    %dma_wait3A_63 = tpu.memref_squeeze %dma_wait3A_62 : memref<1x128xi32, #tpu.memory_space<vmem>> -> memref<128xi32, #tpu.memory_space<vmem>>
    %dma_wait3A_64 = arith.constant 0 : i32
    %dma_wait3A_65 = arith.constant 0 : i32
    %dma_wait3A_66 = tpu.memref_slice %arg5[%dma_wait3A_64, %dma_wait3A_65] : memref<128x128xf32, #tpu.memory_space<vmem_shared>> -> memref<128x128xf32, #tpu.memory_space<vmem_shared>>
    %dma_wait3A_67 = tpu.memref_slice %arg8[%dma_wait3A_56] : memref<3x!tpu.dma_semaphore, #tpu.memory_space<semaphore_mem>> -> memref<1x!tpu.dma_semaphore, #tpu.memory_space<semaphore_mem>>
    %dma_wait3A_68 = tpu.memref_squeeze %dma_wait3A_67 : memref<1x!tpu.dma_semaphore, #tpu.memory_space<semaphore_mem>> -> memref<!tpu.dma_semaphore, #tpu.memory_space<semaphore_mem>>
    tpu.wait_indirect_dma semaphore(%dma_wait3A_68 : memref<!tpu.dma_semaphore, #tpu.memory_space<semaphore_mem>>) src(%dma_wait3A_66 : memref<128x128xf32, #tpu.memory_space<vmem_shared>>) dst(%dma_wait3A_60 : memref<128x128xf32, #tpu.memory_space<vmem>>)
    %add3A_69 = arith.constant 0 : i32
    %add3A_70 = arith.addi %mul3A_6, %add3A_69 : i32
    %dma_start3A_71 = arith.constant 0 : i32
    %dma_start3A_72 = arith.constant 0 : i32
    %dma_start3A_73 = arith.constant 0 : i32
    %dma_start3A_74 = arith.constant 0 : i32
    %dma_start3A_75 = arith.constant 0 : i32
    %dma_start3A_76 = tpu.memref_slice %arg7[%dma_start3A_71, %dma_start3A_73, %dma_start3A_74, %dma_start3A_75] : memref<3x2x128x128xf32, #tpu.memory_space<vmem>> -> memref<1x2x128x128xf32, #tpu.memory_space<vmem>>
    %dma_start3A_77 = tpu.memref_squeeze %dma_start3A_76 : memref<1x2x128x128xf32, #tpu.memory_space<vmem>> -> memref<2x128x128xf32, #tpu.memory_space<vmem>>
    %dma_start3A_78 = arith.constant 0 : i32
    %dma_start3A_79 = arith.constant 0 : i32
    %dma_start3A_80 = tpu.memref_slice %arg4[%add3A_70, %dma_start3A_78, %dma_start3A_79] : memref<6400x128x128xf32, #tpu.memory_space<hbm>> -> memref<2x128x128xf32, #tpu.memory_space<hbm>>
    %dma_start3A_81 = tpu.memref_slice %arg9[%dma_start3A_72] : memref<3x!tpu.dma_semaphore, #tpu.memory_space<semaphore_mem>> -> memref<1x!tpu.dma_semaphore, #tpu.memory_space<semaphore_mem>>
    %dma_start3A_82 = tpu.memref_squeeze %dma_start3A_81 : memref<1x!tpu.dma_semaphore, #tpu.memory_space<semaphore_mem>> -> memref<!tpu.dma_semaphore, #tpu.memory_space<semaphore_mem>>
    %dma_start3A_83 = arith.constant 0 : i32
    %dma_start3A_84 = arith.constant 0 : i32
    %dma_start3A_85 = tpu.memref_slice %arg4[%add3A_70, %dma_start3A_83, %dma_start3A_84] : memref<6400x128x128xf32, #tpu.memory_space<hbm>> -> memref<2x128x128xf32, #tpu.memory_space<hbm>>
    %dma_start3A_86 = arith.constant 0 : i32
    %dma_start3A_87 = arith.constant 0 : i32
    %dma_start3A_88 = arith.constant 0 : i32
    %dma_start3A_89 = tpu.memref_slice %arg7[%dma_start3A_71, %dma_start3A_86, %dma_start3A_87, %dma_start3A_88] : memref<3x2x128x128xf32, #tpu.memory_space<vmem>> -> memref<1x2x128x128xf32, #tpu.memory_space<vmem>>
    %dma_start3A_90 = tpu.memref_squeeze %dma_start3A_89 : memref<1x2x128x128xf32, #tpu.memory_space<vmem>> -> memref<2x128x128xf32, #tpu.memory_space<vmem>>
    tpu.enqueue_dma source(%dma_start3A_90 : memref<2x128x128xf32, #tpu.memory_space<vmem>>) target(%dma_start3A_85 : memref<2x128x128xf32, #tpu.memory_space<hbm>>) target_semaphore(%dma_start3A_82 : memref<!tpu.dma_semaphore, #tpu.memory_space<semaphore_mem>>)
    %dma_start3A_91 = arith.constant 2 : i32
    %dma_start3A_92 = arith.constant 1 : i32
    %dma_start3A_93 = arith.constant 0 : i32
    %dma_start3A_94 = arith.constant 1 : i32
    %dma_start3A_95 = arith.constant 0 : i32
    %dma_start3A_96 = arith.constant 0 : i32
    %dma_start3A_97 = tpu.memref_slice %arg7[%dma_start3A_92, %dma_start3A_93, %dma_start3A_95, %dma_start3A_96] : memref<3x2x128x128xf32, #tpu.memory_space<vmem>> -> memref<1x1x128x128xf32, #tpu.memory_space<vmem>>
    %dma_start3A_98 = tpu.memref_squeeze %dma_start3A_97 : memref<1x1x128x128xf32, #tpu.memory_space<vmem>> -> memref<128x128xf32, #tpu.memory_space<vmem>>
    %dma_start3A_99 = arith.constant 0 : i32
    %dma_start3A_100 = tpu.memref_slice %arg6[%dma_start3A_91, %dma_start3A_99] : memref<200x128xi32, #tpu.memory_space<vmem>> -> memref<1x128xi32, #tpu.memory_space<vmem>>
    %dma_start3A_101 = tpu.memref_squeeze %dma_start3A_100 : memref<1x128xi32, #tpu.memory_space<vmem>> -> memref<128xi32, #tpu.memory_space<vmem>>
    %dma_start3A_102 = arith.constant 0 : i32
    %dma_start3A_103 = arith.constant 0 : i32
    %dma_start3A_104 = tpu.memref_slice %arg5[%dma_start3A_102, %dma_start3A_103] : memref<128x128xf32, #tpu.memory_space<vmem_shared>> -> memref<128x128xf32, #tpu.memory_space<vmem_shared>>
    %dma_start3A_105 = tpu.memref_slice %arg8[%dma_start3A_94] : memref<3x!tpu.dma_semaphore, #tpu.memory_space<semaphore_mem>> -> memref<1x!tpu.dma_semaphore, #tpu.memory_space<semaphore_mem>>
    %dma_start3A_106 = tpu.memref_squeeze %dma_start3A_105 : memref<1x!tpu.dma_semaphore, #tpu.memory_space<semaphore_mem>> -> memref<!tpu.dma_semaphore, #tpu.memory_space<semaphore_mem>>
    tpu.enqueue_indirect_dma source(%dma_start3A_104 : memref<128x128xf32, #tpu.memory_space<vmem_shared>>) target(%dma_start3A_98 : memref<128x128xf32, #tpu.memory_space<vmem>>) offsets(%dma_start3A_101 : memref<128xi32, #tpu.memory_space<vmem>>) semaphore(%dma_start3A_106 : memref<!tpu.dma_semaphore, #tpu.memory_space<semaphore_mem>>)
    %dma_start3A_107 = arith.constant 3 : i32
    %dma_start3A_108 = arith.constant 1 : i32
    %dma_start3A_109 = arith.constant 1 : i32
    %dma_start3A_110 = arith.constant 1 : i32
    %dma_start3A_111 = arith.constant 0 : i32
    %dma_start3A_112 = arith.constant 0 : i32
    %dma_start3A_113 = tpu.memref_slice %arg7[%dma_start3A_108, %dma_start3A_109, %dma_start3A_111, %dma_start3A_112] : memref<3x2x128x128xf32, #tpu.memory_space<vmem>> -> memref<1x1x128x128xf32, #tpu.memory_space<vmem>>
    %dma_start3A_114 = tpu.memref_squeeze %dma_start3A_113 : memref<1x1x128x128xf32, #tpu.memory_space<vmem>> -> memref<128x128xf32, #tpu.memory_space<vmem>>
    %dma_start3A_115 = arith.constant 0 : i32
    %dma_start3A_116 = tpu.memref_slice %arg6[%dma_start3A_107, %dma_start3A_115] : memref<200x128xi32, #tpu.memory_space<vmem>> -> memref<1x128xi32, #tpu.memory_space<vmem>>
    %dma_start3A_117 = tpu.memref_squeeze %dma_start3A_116 : memref<1x128xi32, #tpu.memory_space<vmem>> -> memref<128xi32, #tpu.memory_space<vmem>>
    %dma_start3A_118 = arith.constant 0 : i32
    %dma_start3A_119 = arith.constant 0 : i32
    %dma_start3A_120 = tpu.memref_slice %arg5[%dma_start3A_118, %dma_start3A_119] : memref<128x128xf32, #tpu.memory_space<vmem_shared>> -> memref<128x128xf32, #tpu.memory_space<vmem_shared>>
    %dma_start3A_121 = tpu.memref_slice %arg8[%dma_start3A_110] : memref<3x!tpu.dma_semaphore, #tpu.memory_space<semaphore_mem>> -> memref<1x!tpu.dma_semaphore, #tpu.memory_space<semaphore_mem>>
    %dma_start3A_122 = tpu.memref_squeeze %dma_start3A_121 : memref<1x!tpu.dma_semaphore, #tpu.memory_space<semaphore_mem>> -> memref<!tpu.dma_semaphore, #tpu.memory_space<semaphore_mem>>
    tpu.enqueue_indirect_dma source(%dma_start3A_120 : memref<128x128xf32, #tpu.memory_space<vmem_shared>>) target(%dma_start3A_114 : memref<128x128xf32, #tpu.memory_space<vmem>>) offsets(%dma_start3A_117 : memref<128xi32, #tpu.memory_space<vmem>>) semaphore(%dma_start3A_122 : memref<!tpu.dma_semaphore, #tpu.memory_space<semaphore_mem>>)
    %dma_wait3A_123 = arith.constant 2 : i32
    %dma_wait3A_124 = arith.constant 1 : i32
    %dma_wait3A_125 = arith.constant 0 : i32
    %dma_wait3A_126 = arith.constant 1 : i32
    %dma_wait3A_127 = arith.constant 0 : i32
    %dma_wait3A_128 = arith.constant 0 : i32
    %dma_wait3A_129 = tpu.memref_slice %arg7[%dma_wait3A_124, %dma_wait3A_125, %dma_wait3A_127, %dma_wait3A_128] : memref<3x2x128x128xf32, #tpu.memory_space<vmem>> -> memref<1x1x128x128xf32, #tpu.memory_space<vmem>>
    %dma_wait3A_130 = tpu.memref_squeeze %dma_wait3A_129 : memref<1x1x128x128xf32, #tpu.memory_space<vmem>> -> memref<128x128xf32, #tpu.memory_space<vmem>>
    %dma_wait3A_131 = arith.constant 0 : i32
    %dma_wait3A_132 = tpu.memref_slice %arg6[%dma_wait3A_123, %dma_wait3A_131] : memref<200x128xi32, #tpu.memory_space<vmem>> -> memref<1x128xi32, #tpu.memory_space<vmem>>
    %dma_wait3A_133 = tpu.memref_squeeze %dma_wait3A_132 : memref<1x128xi32, #tpu.memory_space<vmem>> -> memref<128xi32, #tpu.memory_space<vmem>>
    %dma_wait3A_134 = arith.constant 0 : i32
    %dma_wait3A_135 = arith.constant 0 : i32
    %dma_wait3A_136 = tpu.memref_slice %arg5[%dma_wait3A_134, %dma_wait3A_135] : memref<128x128xf32, #tpu.memory_space<vmem_shared>> -> memref<128x128xf32, #tpu.memory_space<vmem_shared>>
    %dma_wait3A_137 = tpu.memref_slice %arg8[%dma_wait3A_126] : memref<3x!tpu.dma_semaphore, #tpu.memory_space<semaphore_mem>> -> memref<1x!tpu.dma_semaphore, #tpu.memory_space<semaphore_mem>>
    %dma_wait3A_138 = tpu.memref_squeeze %dma_wait3A_137 : memref<1x!tpu.dma_semaphore, #tpu.memory_space<semaphore_mem>> -> memref<!tpu.dma_semaphore, #tpu.memory_space<semaphore_mem>>
    tpu.wait_indirect_dma semaphore(%dma_wait3A_138 : memref<!tpu.dma_semaphore, #tpu.memory_space<semaphore_mem>>) src(%dma_wait3A_136 : memref<128x128xf32, #tpu.memory_space<vmem_shared>>) dst(%dma_wait3A_130 : memref<128x128xf32, #tpu.memory_space<vmem>>)
    %dma_wait3A_139 = arith.constant 3 : i32
    %dma_wait3A_140 = arith.constant 1 : i32
    %dma_wait3A_141 = arith.constant 1 : i32
    %dma_wait3A_142 = arith.constant 1 : i32
    %dma_wait3A_143 = arith.constant 0 : i32
    %dma_wait3A_144 = arith.constant 0 : i32
    %dma_wait3A_145 = tpu.memref_slice %arg7[%dma_wait3A_140, %dma_wait3A_141, %dma_wait3A_143, %dma_wait3A_144] : memref<3x2x128x128xf32, #tpu.memory_space<vmem>> -> memref<1x1x128x128xf32, #tpu.memory_space<vmem>>
    %dma_wait3A_146 = tpu.memref_squeeze %dma_wait3A_145 : memref<1x1x128x128xf32, #tpu.memory_space<vmem>> -> memref<128x128xf32, #tpu.memory_space<vmem>>
    %dma_wait3A_147 = arith.constant 0 : i32
    %dma_wait3A_148 = tpu.memref_slice %arg6[%dma_wait3A_139, %dma_wait3A_147] : memref<200x128xi32, #tpu.memory_space<vmem>> -> memref<1x128xi32, #tpu.memory_space<vmem>>
    %dma_wait3A_149 = tpu.memref_squeeze %dma_wait3A_148 : memref<1x128xi32, #tpu.memory_space<vmem>> -> memref<128xi32, #tpu.memory_space<vmem>>
    %dma_wait3A_150 = arith.constant 0 : i32
    %dma_wait3A_151 = arith.constant 0 : i32
    %dma_wait3A_152 = tpu.memref_slice %arg5[%dma_wait3A_150, %dma_wait3A_151] : memref<128x128xf32, #tpu.memory_space<vmem_shared>> -> memref<128x128xf32, #tpu.memory_space<vmem_shared>>
    %dma_wait3A_153 = tpu.memref_slice %arg8[%dma_wait3A_142] : memref<3x!tpu.dma_semaphore, #tpu.memory_space<semaphore_mem>> -> memref<1x!tpu.dma_semaphore, #tpu.memory_space<semaphore_mem>>
    %dma_wait3A_154 = tpu.memref_squeeze %dma_wait3A_153 : memref<1x!tpu.dma_semaphore, #tpu.memory_space<semaphore_mem>> -> memref<!tpu.dma_semaphore, #tpu.memory_space<semaphore_mem>>
    tpu.wait_indirect_dma semaphore(%dma_wait3A_154 : memref<!tpu.dma_semaphore, #tpu.memory_space<semaphore_mem>>) src(%dma_wait3A_152 : memref<128x128xf32, #tpu.memory_space<vmem_shared>>) dst(%dma_wait3A_146 : memref<128x128xf32, #tpu.memory_space<vmem>>)
    %add3A_155 = arith.constant 2 : i32
    %add3A_156 = arith.addi %mul3A_6, %add3A_155 : i32
    %dma_start3A_157 = arith.constant 1 : i32
    %dma_start3A_158 = arith.constant 1 : i32
    %dma_start3A_159 = arith.constant 0 : i32
    %dma_start3A_160 = arith.constant 0 : i32
    %dma_start3A_161 = arith.constant 0 : i32
    %dma_start3A_162 = tpu.memref_slice %arg7[%dma_start3A_157, %dma_start3A_159, %dma_start3A_160, %dma_start3A_161] : memref<3x2x128x128xf32, #tpu.memory_space<vmem>> -> memref<1x2x128x128xf32, #tpu.memory_space<vmem>>
    %dma_start3A_163 = tpu.memref_squeeze %dma_start3A_162 : memref<1x2x128x128xf32, #tpu.memory_space<vmem>> -> memref<2x128x128xf32, #tpu.memory_space<vmem>>
    %dma_start3A_164 = arith.constant 0 : i32
    %dma_start3A_165 = arith.constant 0 : i32
    %dma_start3A_166 = tpu.memref_slice %arg4[%add3A_156, %dma_start3A_164, %dma_start3A_165] : memref<6400x128x128xf32, #tpu.memory_space<hbm>> -> memref<2x128x128xf32, #tpu.memory_space<hbm>>
    %dma_start3A_167 = tpu.memref_slice %arg9[%dma_start3A_158] : memref<3x!tpu.dma_semaphore, #tpu.memory_space<semaphore_mem>> -> memref<1x!tpu.dma_semaphore, #tpu.memory_space<semaphore_mem>>
    %dma_start3A_168 = tpu.memref_squeeze %dma_start3A_167 : memref<1x!tpu.dma_semaphore, #tpu.memory_space<semaphore_mem>> -> memref<!tpu.dma_semaphore, #tpu.memory_space<semaphore_mem>>
    %dma_start3A_169 = arith.constant 0 : i32
    %dma_start3A_170 = arith.constant 0 : i32
    %dma_start3A_171 = tpu.memref_slice %arg4[%add3A_156, %dma_start3A_169, %dma_start3A_170] : memref<6400x128x128xf32, #tpu.memory_space<hbm>> -> memref<2x128x128xf32, #tpu.memory_space<hbm>>
    %dma_start3A_172 = arith.constant 0 : i32
    %dma_start3A_173 = arith.constant 0 : i32
    %dma_start3A_174 = arith.constant 0 : i32
    %dma_start3A_175 = tpu.memref_slice %arg7[%dma_start3A_157, %dma_start3A_172, %dma_start3A_173, %dma_start3A_174] : memref<3x2x128x128xf32, #tpu.memory_space<vmem>> -> memref<1x2x128x128xf32, #tpu.memory_space<vmem>>
    %dma_start3A_176 = tpu.memref_squeeze %dma_start3A_175 : memref<1x2x128x128xf32, #tpu.memory_space<vmem>> -> memref<2x128x128xf32, #tpu.memory_space<vmem>>
    tpu.enqueue_dma source(%dma_start3A_176 : memref<2x128x128xf32, #tpu.memory_space<vmem>>) target(%dma_start3A_171 : memref<2x128x128xf32, #tpu.memory_space<hbm>>) target_semaphore(%dma_start3A_168 : memref<!tpu.dma_semaphore, #tpu.memory_space<semaphore_mem>>)
    %dma_start3A_177 = arith.constant 4 : i32
    %dma_start3A_178 = arith.constant 2 : i32
    %dma_start3A_179 = arith.constant 0 : i32
    %dma_start3A_180 = arith.constant 2 : i32
    %dma_start3A_181 = arith.constant 0 : i32
    %dma_start3A_182 = arith.constant 0 : i32
    %dma_start3A_183 = tpu.memref_slice %arg7[%dma_start3A_178, %dma_start3A_179, %dma_start3A_181, %dma_start3A_182] : memref<3x2x128x128xf32, #tpu.memory_space<vmem>> -> memref<1x1x128x128xf32, #tpu.memory_space<vmem>>
    %dma_start3A_184 = tpu.memref_squeeze %dma_start3A_183 : memref<1x1x128x128xf32, #tpu.memory_space<vmem>> -> memref<128x128xf32, #tpu.memory_space<vmem>>
    %dma_start3A_185 = arith.constant 0 : i32
    %dma_start3A_186 = tpu.memref_slice %arg6[%dma_start3A_177, %dma_start3A_185] : memref<200x128xi32, #tpu.memory_space<vmem>> -> memref<1x128xi32, #tpu.memory_space<vmem>>
    %dma_start3A_187 = tpu.memref_squeeze %dma_start3A_186 : memref<1x128xi32, #tpu.memory_space<vmem>> -> memref<128xi32, #tpu.memory_space<vmem>>
    %dma_start3A_188 = arith.constant 0 : i32
    %dma_start3A_189 = arith.constant 0 : i32
    %dma_start3A_190 = tpu.memref_slice %arg5[%dma_start3A_188, %dma_start3A_189] : memref<128x128xf32, #tpu.memory_space<vmem_shared>> -> memref<128x128xf32, #tpu.memory_space<vmem_shared>>
    %dma_start3A_191 = tpu.memref_slice %arg8[%dma_start3A_180] : memref<3x!tpu.dma_semaphore, #tpu.memory_space<semaphore_mem>> -> memref<1x!tpu.dma_semaphore, #tpu.memory_space<semaphore_mem>>
    %dma_start3A_192 = tpu.memref_squeeze %dma_start3A_191 : memref<1x!tpu.dma_semaphore, #tpu.memory_space<semaphore_mem>> -> memref<!tpu.dma_semaphore, #tpu.memory_space<semaphore_mem>>
    tpu.enqueue_indirect_dma source(%dma_start3A_190 : memref<128x128xf32, #tpu.memory_space<vmem_shared>>) target(%dma_start3A_184 : memref<128x128xf32, #tpu.memory_space<vmem>>) offsets(%dma_start3A_187 : memref<128xi32, #tpu.memory_space<vmem>>) semaphore(%dma_start3A_192 : memref<!tpu.dma_semaphore, #tpu.memory_space<semaphore_mem>>)
    %dma_start3A_193 = arith.constant 5 : i32
    %dma_start3A_194 = arith.constant 2 : i32
    %dma_start3A_195 = arith.constant 1 : i32
    %dma_start3A_196 = arith.constant 2 : i32
    %dma_start3A_197 = arith.constant 0 : i32
    %dma_start3A_198 = arith.constant 0 : i32
    %dma_start3A_199 = tpu.memref_slice %arg7[%dma_start3A_194, %dma_start3A_195, %dma_start3A_197, %dma_start3A_198] : memref<3x2x128x128xf32, #tpu.memory_space<vmem>> -> memref<1x1x128x128xf32, #tpu.memory_space<vmem>>
    %dma_start3A_200 = tpu.memref_squeeze %dma_start3A_199 : memref<1x1x128x128xf32, #tpu.memory_space<vmem>> -> memref<128x128xf32, #tpu.memory_space<vmem>>
    %dma_start3A_201 = arith.constant 0 : i32
    %dma_start3A_202 = tpu.memref_slice %arg6[%dma_start3A_193, %dma_start3A_201] : memref<200x128xi32, #tpu.memory_space<vmem>> -> memref<1x128xi32, #tpu.memory_space<vmem>>
    %dma_start3A_203 = tpu.memref_squeeze %dma_start3A_202 : memref<1x128xi32, #tpu.memory_space<vmem>> -> memref<128xi32, #tpu.memory_space<vmem>>
    %dma_start3A_204 = arith.constant 0 : i32
    %dma_start3A_205 = arith.constant 0 : i32
    %dma_start3A_206 = tpu.memref_slice %arg5[%dma_start3A_204, %dma_start3A_205] : memref<128x128xf32, #tpu.memory_space<vmem_shared>> -> memref<128x128xf32, #tpu.memory_space<vmem_shared>>
    %dma_start3A_207 = tpu.memref_slice %arg8[%dma_start3A_196] : memref<3x!tpu.dma_semaphore, #tpu.memory_space<semaphore_mem>> -> memref<1x!tpu.dma_semaphore, #tpu.memory_space<semaphore_mem>>
    %dma_start3A_208 = tpu.memref_squeeze %dma_start3A_207 : memref<1x!tpu.dma_semaphore, #tpu.memory_space<semaphore_mem>> -> memref<!tpu.dma_semaphore, #tpu.memory_space<semaphore_mem>>
    tpu.enqueue_indirect_dma source(%dma_start3A_206 : memref<128x128xf32, #tpu.memory_space<vmem_shared>>) target(%dma_start3A_200 : memref<128x128xf32, #tpu.memory_space<vmem>>) offsets(%dma_start3A_203 : memref<128xi32, #tpu.memory_space<vmem>>) semaphore(%dma_start3A_208 : memref<!tpu.dma_semaphore, #tpu.memory_space<semaphore_mem>>)
    %dma_wait3A_209 = arith.constant 4 : i32
    %dma_wait3A_210 = arith.constant 2 : i32
    %dma_wait3A_211 = arith.constant 0 : i32
    %dma_wait3A_212 = arith.constant 2 : i32
    %dma_wait3A_213 = arith.constant 0 : i32
    %dma_wait3A_214 = arith.constant 0 : i32
    %dma_wait3A_215 = tpu.memref_slice %arg7[%dma_wait3A_210, %dma_wait3A_211, %dma_wait3A_213, %dma_wait3A_214] : memref<3x2x128x128xf32, #tpu.memory_space<vmem>> -> memref<1x1x128x128xf32, #tpu.memory_space<vmem>>
    %dma_wait3A_216 = tpu.memref_squeeze %dma_wait3A_215 : memref<1x1x128x128xf32, #tpu.memory_space<vmem>> -> memref<128x128xf32, #tpu.memory_space<vmem>>
    %dma_wait3A_217 = arith.constant 0 : i32
    %dma_wait3A_218 = tpu.memref_slice %arg6[%dma_wait3A_209, %dma_wait3A_217] : memref<200x128xi32, #tpu.memory_space<vmem>> -> memref<1x128xi32, #tpu.memory_space<vmem>>
    %dma_wait3A_219 = tpu.memref_squeeze %dma_wait3A_218 : memref<1x128xi32, #tpu.memory_space<vmem>> -> memref<128xi32, #tpu.memory_space<vmem>>
    %dma_wait3A_220 = arith.constant 0 : i32
    %dma_wait3A_221 = arith.constant 0 : i32
    %dma_wait3A_222 = tpu.memref_slice %arg5[%dma_wait3A_220, %dma_wait3A_221] : memref<128x128xf32, #tpu.memory_space<vmem_shared>> -> memref<128x128xf32, #tpu.memory_space<vmem_shared>>
    %dma_wait3A_223 = tpu.memref_slice %arg8[%dma_wait3A_212] : memref<3x!tpu.dma_semaphore, #tpu.memory_space<semaphore_mem>> -> memref<1x!tpu.dma_semaphore, #tpu.memory_space<semaphore_mem>>
    %dma_wait3A_224 = tpu.memref_squeeze %dma_wait3A_223 : memref<1x!tpu.dma_semaphore, #tpu.memory_space<semaphore_mem>> -> memref<!tpu.dma_semaphore, #tpu.memory_space<semaphore_mem>>
    tpu.wait_indirect_dma semaphore(%dma_wait3A_224 : memref<!tpu.dma_semaphore, #tpu.memory_space<semaphore_mem>>) src(%dma_wait3A_222 : memref<128x128xf32, #tpu.memory_space<vmem_shared>>) dst(%dma_wait3A_216 : memref<128x128xf32, #tpu.memory_space<vmem>>)
    %dma_wait3A_225 = arith.constant 5 : i32
    %dma_wait3A_226 = arith.constant 2 : i32
    %dma_wait3A_227 = arith.constant 1 : i32
    %dma_wait3A_228 = arith.constant 2 : i32
    %dma_wait3A_229 = arith.constant 0 : i32
    %dma_wait3A_230 = arith.constant 0 : i32
    %dma_wait3A_231 = tpu.memref_slice %arg7[%dma_wait3A_226, %dma_wait3A_227, %dma_wait3A_229, %dma_wait3A_230] : memref<3x2x128x128xf32, #tpu.memory_space<vmem>> -> memref<1x1x128x128xf32, #tpu.memory_space<vmem>>
    %dma_wait3A_232 = tpu.memref_squeeze %dma_wait3A_231 : memref<1x1x128x128xf32, #tpu.memory_space<vmem>> -> memref<128x128xf32, #tpu.memory_space<vmem>>
    %dma_wait3A_233 = arith.constant 0 : i32
    %dma_wait3A_234 = tpu.memref_slice %arg6[%dma_wait3A_225, %dma_wait3A_233] : memref<200x128xi32, #tpu.memory_space<vmem>> -> memref<1x128xi32, #tpu.memory_space<vmem>>
    %dma_wait3A_235 = tpu.memref_squeeze %dma_wait3A_234 : memref<1x128xi32, #tpu.memory_space<vmem>> -> memref<128xi32, #tpu.memory_space<vmem>>
    %dma_wait3A_236 = arith.constant 0 : i32
    %dma_wait3A_237 = arith.constant 0 : i32
    %dma_wait3A_238 = tpu.memref_slice %arg5[%dma_wait3A_236, %dma_wait3A_237] : memref<128x128xf32, #tpu.memory_space<vmem_shared>> -> memref<128x128xf32, #tpu.memory_space<vmem_shared>>
    %dma_wait3A_239 = tpu.memref_slice %arg8[%dma_wait3A_228] : memref<3x!tpu.dma_semaphore, #tpu.memory_space<semaphore_mem>> -> memref<1x!tpu.dma_semaphore, #tpu.memory_space<semaphore_mem>>
    %dma_wait3A_240 = tpu.memref_squeeze %dma_wait3A_239 : memref<1x!tpu.dma_semaphore, #tpu.memory_space<semaphore_mem>> -> memref<!tpu.dma_semaphore, #tpu.memory_space<semaphore_mem>>
    tpu.wait_indirect_dma semaphore(%dma_wait3A_240 : memref<!tpu.dma_semaphore, #tpu.memory_space<semaphore_mem>>) src(%dma_wait3A_238 : memref<128x128xf32, #tpu.memory_space<vmem_shared>>) dst(%dma_wait3A_232 : memref<128x128xf32, #tpu.memory_space<vmem>>)
    %add3A_241 = arith.constant 4 : i32
    %add3A_242 = arith.addi %mul3A_6, %add3A_241 : i32
    %dma_start3A_243 = arith.constant 2 : i32
    %dma_start3A_244 = arith.constant 2 : i32
    %dma_start3A_245 = arith.constant 0 : i32
    %dma_start3A_246 = arith.constant 0 : i32
    %dma_start3A_247 = arith.constant 0 : i32
    %dma_start3A_248 = tpu.memref_slice %arg7[%dma_start3A_243, %dma_start3A_245, %dma_start3A_246, %dma_start3A_247] : memref<3x2x128x128xf32, #tpu.memory_space<vmem>> -> memref<1x2x128x128xf32, #tpu.memory_space<vmem>>
    %dma_start3A_249 = tpu.memref_squeeze %dma_start3A_248 : memref<1x2x128x128xf32, #tpu.memory_space<vmem>> -> memref<2x128x128xf32, #tpu.memory_space<vmem>>
    %dma_start3A_250 = arith.constant 0 : i32
    %dma_start3A_251 = arith.constant 0 : i32
    %dma_start3A_252 = tpu.memref_slice %arg4[%add3A_242, %dma_start3A_250, %dma_start3A_251] : memref<6400x128x128xf32, #tpu.memory_space<hbm>> -> memref<2x128x128xf32, #tpu.memory_space<hbm>>
    %dma_start3A_253 = tpu.memref_slice %arg9[%dma_start3A_244] : memref<3x!tpu.dma_semaphore, #tpu.memory_space<semaphore_mem>> -> memref<1x!tpu.dma_semaphore, #tpu.memory_space<semaphore_mem>>
    %dma_start3A_254 = tpu.memref_squeeze %dma_start3A_253 : memref<1x!tpu.dma_semaphore, #tpu.memory_space<semaphore_mem>> -> memref<!tpu.dma_semaphore, #tpu.memory_space<semaphore_mem>>
    %dma_start3A_255 = arith.constant 0 : i32
    %dma_start3A_256 = arith.constant 0 : i32
    %dma_start3A_257 = tpu.memref_slice %arg4[%add3A_242, %dma_start3A_255, %dma_start3A_256] : memref<6400x128x128xf32, #tpu.memory_space<hbm>> -> memref<2x128x128xf32, #tpu.memory_space<hbm>>
    %dma_start3A_258 = arith.constant 0 : i32
    %dma_start3A_259 = arith.constant 0 : i32
    %dma_start3A_260 = arith.constant 0 : i32
    %dma_start3A_261 = tpu.memref_slice %arg7[%dma_start3A_243, %dma_start3A_258, %dma_start3A_259, %dma_start3A_260] : memref<3x2x128x128xf32, #tpu.memory_space<vmem>> -> memref<1x2x128x128xf32, #tpu.memory_space<vmem>>
    %dma_start3A_262 = tpu.memref_squeeze %dma_start3A_261 : memref<1x2x128x128xf32, #tpu.memory_space<vmem>> -> memref<2x128x128xf32, #tpu.memory_space<vmem>>
    tpu.enqueue_dma source(%dma_start3A_262 : memref<2x128x128xf32, #tpu.memory_space<vmem>>) target(%dma_start3A_257 : memref<2x128x128xf32, #tpu.memory_space<hbm>>) target_semaphore(%dma_start3A_254 : memref<!tpu.dma_semaphore, #tpu.memory_space<semaphore_mem>>)
    %add3A_263 = arith.constant 0 : i32
    %add3A_264 = arith.addi %mul3A_6, %add3A_263 : i32
    %dma_wait3A_265 = arith.constant 0 : i32
    %dma_wait3A_266 = arith.constant 0 : i32
    %dma_wait3A_267 = arith.constant 0 : i32
    %dma_wait3A_268 = arith.constant 0 : i32
    %dma_wait3A_269 = arith.constant 0 : i32
    %dma_wait3A_270 = tpu.memref_slice %arg7[%dma_wait3A_265, %dma_wait3A_267, %dma_wait3A_268, %dma_wait3A_269] : memref<3x2x128x128xf32, #tpu.memory_space<vmem>> -> memref<1x2x128x128xf32, #tpu.memory_space<vmem>>
    %dma_wait3A_271 = tpu.memref_squeeze %dma_wait3A_270 : memref<1x2x128x128xf32, #tpu.memory_space<vmem>> -> memref<2x128x128xf32, #tpu.memory_space<vmem>>
    %dma_wait3A_272 = arith.constant 0 : i32
    %dma_wait3A_273 = arith.constant 0 : i32
    %dma_wait3A_274 = tpu.memref_slice %arg4[%add3A_264, %dma_wait3A_272, %dma_wait3A_273] : memref<6400x128x128xf32, #tpu.memory_space<hbm>> -> memref<2x128x128xf32, #tpu.memory_space<hbm>>
    %dma_wait3A_275 = tpu.memref_slice %arg9[%dma_wait3A_266] : memref<3x!tpu.dma_semaphore, #tpu.memory_space<semaphore_mem>> -> memref<1x!tpu.dma_semaphore, #tpu.memory_space<semaphore_mem>>
    %dma_wait3A_276 = tpu.memref_squeeze %dma_wait3A_275 : memref<1x!tpu.dma_semaphore, #tpu.memory_space<semaphore_mem>> -> memref<!tpu.dma_semaphore, #tpu.memory_space<semaphore_mem>>
    %dma_wait3A_277 = arith.constant 0 : i32
    %dma_wait3A_278 = arith.constant 0 : i32
    %dma_wait3A_279 = tpu.memref_slice %arg4[%add3A_264, %dma_wait3A_277, %dma_wait3A_278] : memref<6400x128x128xf32, #tpu.memory_space<hbm>> -> memref<2x128x128xf32, #tpu.memory_space<hbm>>
    %dma_wait3A_280 = arith.constant 0 : i32
    %dma_wait3A_281 = arith.constant 0 : i32
    %dma_wait3A_282 = arith.constant 0 : i32
    %dma_wait3A_283 = tpu.memref_slice %arg7[%dma_wait3A_265, %dma_wait3A_280, %dma_wait3A_281, %dma_wait3A_282] : memref<3x2x128x128xf32, #tpu.memory_space<vmem>> -> memref<1x2x128x128xf32, #tpu.memory_space<vmem>>
    %dma_wait3A_284 = tpu.memref_squeeze %dma_wait3A_283 : memref<1x2x128x128xf32, #tpu.memory_space<vmem>> -> memref<2x128x128xf32, #tpu.memory_space<vmem>>
    tpu.wait_dma2 semaphore(%dma_wait3A_276 : memref<!tpu.dma_semaphore, #tpu.memory_space<semaphore_mem>>) src(%dma_wait3A_284 : memref<2x128x128xf32, #tpu.memory_space<vmem>>) dst(%dma_wait3A_279 : memref<2x128x128xf32, #tpu.memory_space<hbm>>)
    %dma_start3A_285 = arith.constant 6 : i32
    %dma_start3A_286 = arith.constant 0 : i32
    %dma_start3A_287 = arith.constant 0 : i32
    %dma_start3A_288 = arith.constant 0 : i32
    %dma_start3A_289 = arith.constant 0 : i32
    %dma_start3A_290 = arith.constant 0 : i32
    %dma_start3A_291 = tpu.memref_slice %arg7[%dma_start3A_286, %dma_start3A_287, %dma_start3A_289, %dma_start3A_290] : memref<3x2x128x128xf32, #tpu.memory_space<vmem>> -> memref<1x1x128x128xf32, #tpu.memory_space<vmem>>
    %dma_start3A_292 = tpu.memref_squeeze %dma_start3A_291 : memref<1x1x128x128xf32, #tpu.memory_space<vmem>> -> memref<128x128xf32, #tpu.memory_space<vmem>>
    %dma_start3A_293 = arith.constant 0 : i32
    %dma_start3A_294 = tpu.memref_slice %arg6[%dma_start3A_285, %dma_start3A_293] : memref<200x128xi32, #tpu.memory_space<vmem>> -> memref<1x128xi32, #tpu.memory_space<vmem>>
    %dma_start3A_295 = tpu.memref_squeeze %dma_start3A_294 : memref<1x128xi32, #tpu.memory_space<vmem>> -> memref<128xi32, #tpu.memory_space<vmem>>
    %dma_start3A_296 = arith.constant 0 : i32
    %dma_start3A_297 = arith.constant 0 : i32
    %dma_start3A_298 = tpu.memref_slice %arg5[%dma_start3A_296, %dma_start3A_297] : memref<128x128xf32, #tpu.memory_space<vmem_shared>> -> memref<128x128xf32, #tpu.memory_space<vmem_shared>>
    %dma_start3A_299 = tpu.memref_slice %arg8[%dma_start3A_288] : memref<3x!tpu.dma_semaphore, #tpu.memory_space<semaphore_mem>> -> memref<1x!tpu.dma_semaphore, #tpu.memory_space<semaphore_mem>>
    %dma_start3A_300 = tpu.memref_squeeze %dma_start3A_299 : memref<1x!tpu.dma_semaphore, #tpu.memory_space<semaphore_mem>> -> memref<!tpu.dma_semaphore, #tpu.memory_space<semaphore_mem>>
    tpu.enqueue_indirect_dma source(%dma_start3A_298 : memref<128x128xf32, #tpu.memory_space<vmem_shared>>) target(%dma_start3A_292 : memref<128x128xf32, #tpu.memory_space<vmem>>) offsets(%dma_start3A_295 : memref<128xi32, #tpu.memory_space<vmem>>) semaphore(%dma_start3A_300 : memref<!tpu.dma_semaphore, #tpu.memory_space<semaphore_mem>>)
    %dma_start3A_301 = arith.constant 7 : i32
    %dma_start3A_302 = arith.constant 0 : i32
    %dma_start3A_303 = arith.constant 1 : i32
    %dma_start3A_304 = arith.constant 0 : i32
    %dma_start3A_305 = arith.constant 0 : i32
    %dma_start3A_306 = arith.constant 0 : i32
    %dma_start3A_307 = tpu.memref_slice %arg7[%dma_start3A_302, %dma_start3A_303, %dma_start3A_305, %dma_start3A_306] : memref<3x2x128x128xf32, #tpu.memory_space<vmem>> -> memref<1x1x128x128xf32, #tpu.memory_space<vmem>>
    %dma_start3A_308 = tpu.memref_squeeze %dma_start3A_307 : memref<1x1x128x128xf32, #tpu.memory_space<vmem>> -> memref<128x128xf32, #tpu.memory_space<vmem>>
    %dma_start3A_309 = arith.constant 0 : i32
    %dma_start3A_310 = tpu.memref_slice %arg6[%dma_start3A_301, %dma_start3A_309] : memref<200x128xi32, #tpu.memory_space<vmem>> -> memref<1x128xi32, #tpu.memory_space<vmem>>
    %dma_start3A_311 = tpu.memref_squeeze %dma_start3A_310 : memref<1x128xi32, #tpu.memory_space<vmem>> -> memref<128xi32, #tpu.memory_space<vmem>>
    %dma_start3A_312 = arith.constant 0 : i32
    %dma_start3A_313 = arith.constant 0 : i32
    %dma_start3A_314 = tpu.memref_slice %arg5[%dma_start3A_312, %dma_start3A_313] : memref<128x128xf32, #tpu.memory_space<vmem_shared>> -> memref<128x128xf32, #tpu.memory_space<vmem_shared>>
    %dma_start3A_315 = tpu.memref_slice %arg8[%dma_start3A_304] : memref<3x!tpu.dma_semaphore, #tpu.memory_space<semaphore_mem>> -> memref<1x!tpu.dma_semaphore, #tpu.memory_space<semaphore_mem>>
    %dma_start3A_316 = tpu.memref_squeeze %dma_start3A_315 : memref<1x!tpu.dma_semaphore, #tpu.memory_space<semaphore_mem>> -> memref<!tpu.dma_semaphore, #tpu.memory_space<semaphore_mem>>
    tpu.enqueue_indirect_dma source(%dma_start3A_314 : memref<128x128xf32, #tpu.memory_space<vmem_shared>>) target(%dma_start3A_308 : memref<128x128xf32, #tpu.memory_space<vmem>>) offsets(%dma_start3A_311 : memref<128xi32, #tpu.memory_space<vmem>>) semaphore(%dma_start3A_316 : memref<!tpu.dma_semaphore, #tpu.memory_space<semaphore_mem>>)
    %scan3A = arith.constant 0 : i32
    %scan3A_317 = arith.constant 1 : i32
    %scan3A_318 = arith.constant 32 : i32
    %scan3A_319 = arith.addi %scan3A_317, %scan3A_318 : i32
    %scan3A_320 = arith.constant 1 : i32
    scf.for %scan3A_442 = %scan3A_317 to %scan3A_319 step %scan3A_320  : i32 {
      %mul3A_443 = arith.constant 3 : i32
      %mul3A_444 = arith.muli %scan3A_442, %mul3A_443 : i32
      %add3A_445 = arith.constant 0 : i32
      %add3A_446 = arith.addi %mul3A_444, %add3A_445 : i32
      %mul3A_447 = arith.constant 2 : i32
      %mul3A_448 = arith.muli %add3A_446, %mul3A_447 : i32
      %add3A_449 = arith.constant 0 : i32
      %add3A_450 = arith.addi %mul3A_448, %add3A_449 : i32
      %dma_wait3A_451 = arith.constant 0 : i32
      %dma_wait3A_452 = arith.constant 0 : i32
      %dma_wait3A_453 = arith.constant 0 : i32
      %dma_wait3A_454 = arith.constant 0 : i32
      %dma_wait3A_455 = arith.constant 0 : i32
      %dma_wait3A_456 = tpu.memref_slice %arg7[%dma_wait3A_451, %dma_wait3A_452, %dma_wait3A_454, %dma_wait3A_455] : memref<3x2x128x128xf32, #tpu.memory_space<vmem>> -> memref<1x1x128x128xf32, #tpu.memory_space<vmem>>
      %dma_wait3A_457 = tpu.memref_squeeze %dma_wait3A_456 : memref<1x1x128x128xf32, #tpu.memory_space<vmem>> -> memref<128x128xf32, #tpu.memory_space<vmem>>
      %dma_wait3A_458 = arith.constant 0 : i32
      %dma_wait3A_459 = tpu.memref_slice %arg6[%add3A_450, %dma_wait3A_458] : memref<200x128xi32, #tpu.memory_space<vmem>> -> memref<1x128xi32, #tpu.memory_space<vmem>>
      %dma_wait3A_460 = tpu.memref_squeeze %dma_wait3A_459 : memref<1x128xi32, #tpu.memory_space<vmem>> -> memref<128xi32, #tpu.memory_space<vmem>>
      %dma_wait3A_461 = arith.constant 0 : i32
      %dma_wait3A_462 = arith.constant 0 : i32
      %dma_wait3A_463 = tpu.memref_slice %arg5[%dma_wait3A_461, %dma_wait3A_462] : memref<128x128xf32, #tpu.memory_space<vmem_shared>> -> memref<128x128xf32, #tpu.memory_space<vmem_shared>>
      %dma_wait3A_464 = tpu.memref_slice %arg8[%dma_wait3A_453] : memref<3x!tpu.dma_semaphore, #tpu.memory_space<semaphore_mem>> -> memref<1x!tpu.dma_semaphore, #tpu.memory_space<semaphore_mem>>
      %dma_wait3A_465 = tpu.memref_squeeze %dma_wait3A_464 : memref<1x!tpu.dma_semaphore, #tpu.memory_space<semaphore_mem>> -> memref<!tpu.dma_semaphore, #tpu.memory_space<semaphore_mem>>
      tpu.wait_indirect_dma semaphore(%dma_wait3A_465 : memref<!tpu.dma_semaphore, #tpu.memory_space<semaphore_mem>>) src(%dma_wait3A_463 : memref<128x128xf32, #tpu.memory_space<vmem_shared>>) dst(%dma_wait3A_457 : memref<128x128xf32, #tpu.memory_space<vmem>>)
      %mul3A_466 = arith.constant 2 : i32
      %mul3A_467 = arith.muli %add3A_446, %mul3A_466 : i32
      %add3A_468 = arith.constant 1 : i32
      %add3A_469 = arith.addi %mul3A_467, %add3A_468 : i32
      %dma_wait3A_470 = arith.constant 0 : i32
      %dma_wait3A_471 = arith.constant 1 : i32
      %dma_wait3A_472 = arith.constant 0 : i32
      %dma_wait3A_473 = arith.constant 0 : i32
      %dma_wait3A_474 = arith.constant 0 : i32
      %dma_wait3A_475 = tpu.memref_slice %arg7[%dma_wait3A_470, %dma_wait3A_471, %dma_wait3A_473, %dma_wait3A_474] : memref<3x2x128x128xf32, #tpu.memory_space<vmem>> -> memref<1x1x128x128xf32, #tpu.memory_space<vmem>>
      %dma_wait3A_476 = tpu.memref_squeeze %dma_wait3A_475 : memref<1x1x128x128xf32, #tpu.memory_space<vmem>> -> memref<128x128xf32, #tpu.memory_space<vmem>>
      %dma_wait3A_477 = arith.constant 0 : i32
      %dma_wait3A_478 = tpu.memref_slice %arg6[%add3A_469, %dma_wait3A_477] : memref<200x128xi32, #tpu.memory_space<vmem>> -> memref<1x128xi32, #tpu.memory_space<vmem>>
      %dma_wait3A_479 = tpu.memref_squeeze %dma_wait3A_478 : memref<1x128xi32, #tpu.memory_space<vmem>> -> memref<128xi32, #tpu.memory_space<vmem>>
      %dma_wait3A_480 = arith.constant 0 : i32
      %dma_wait3A_481 = arith.constant 0 : i32
      %dma_wait3A_482 = tpu.memref_slice %arg5[%dma_wait3A_480, %dma_wait3A_481] : memref<128x128xf32, #tpu.memory_space<vmem_shared>> -> memref<128x128xf32, #tpu.memory_space<vmem_shared>>
      %dma_wait3A_483 = tpu.memref_slice %arg8[%dma_wait3A_472] : memref<3x!tpu.dma_semaphore, #tpu.memory_space<semaphore_mem>> -> memref<1x!tpu.dma_semaphore, #tpu.memory_space<semaphore_mem>>
      %dma_wait3A_484 = tpu.memref_squeeze %dma_wait3A_483 : memref<1x!tpu.dma_semaphore, #tpu.memory_space<semaphore_mem>> -> memref<!tpu.dma_semaphore, #tpu.memory_space<semaphore_mem>>
      tpu.wait_indirect_dma semaphore(%dma_wait3A_484 : memref<!tpu.dma_semaphore, #tpu.memory_space<semaphore_mem>>) src(%dma_wait3A_482 : memref<128x128xf32, #tpu.memory_space<vmem_shared>>) dst(%dma_wait3A_476 : memref<128x128xf32, #tpu.memory_space<vmem>>)
      %mul3A_485 = arith.constant 2 : i32
      %mul3A_486 = arith.muli %add3A_446, %mul3A_485 : i32
      %add3A_487 = arith.addi %mul3A_6, %mul3A_486 : i32
      %dma_start3A_488 = arith.constant 0 : i32
      %dma_start3A_489 = arith.constant 0 : i32
      %dma_start3A_490 = arith.constant 0 : i32
      %dma_start3A_491 = arith.constant 0 : i32
      %dma_start3A_492 = arith.constant 0 : i32
      %dma_start3A_493 = tpu.memref_slice %arg7[%dma_start3A_488, %dma_start3A_490, %dma_start3A_491, %dma_start3A_492] : memref<3x2x128x128xf32, #tpu.memory_space<vmem>> -> memref<1x2x128x128xf32, #tpu.memory_space<vmem>>
      %dma_start3A_494 = tpu.memref_squeeze %dma_start3A_493 : memref<1x2x128x128xf32, #tpu.memory_space<vmem>> -> memref<2x128x128xf32, #tpu.memory_space<vmem>>
      %dma_start3A_495 = arith.constant 0 : i32
      %dma_start3A_496 = arith.constant 0 : i32
      %dma_start3A_497 = tpu.memref_slice %arg4[%add3A_487, %dma_start3A_495, %dma_start3A_496] : memref<6400x128x128xf32, #tpu.memory_space<hbm>> -> memref<2x128x128xf32, #tpu.memory_space<hbm>>
      %dma_start3A_498 = tpu.memref_slice %arg9[%dma_start3A_489] : memref<3x!tpu.dma_semaphore, #tpu.memory_space<semaphore_mem>> -> memref<1x!tpu.dma_semaphore, #tpu.memory_space<semaphore_mem>>
      %dma_start3A_499 = tpu.memref_squeeze %dma_start3A_498 : memref<1x!tpu.dma_semaphore, #tpu.memory_space<semaphore_mem>> -> memref<!tpu.dma_semaphore, #tpu.memory_space<semaphore_mem>>
      %dma_start3A_500 = arith.constant 0 : i32
      %dma_start3A_501 = arith.constant 0 : i32
      %dma_start3A_502 = tpu.memref_slice %arg4[%add3A_487, %dma_start3A_500, %dma_start3A_501] : memref<6400x128x128xf32, #tpu.memory_space<hbm>> -> memref<2x128x128xf32, #tpu.memory_space<hbm>>
      %dma_start3A_503 = arith.constant 0 : i32
      %dma_start3A_504 = arith.constant 0 : i32
      %dma_start3A_505 = arith.constant 0 : i32
      %dma_start3A_506 = tpu.memref_slice %arg7[%dma_start3A_488, %dma_start3A_503, %dma_start3A_504, %dma_start3A_505] : memref<3x2x128x128xf32, #tpu.memory_space<vmem>> -> memref<1x2x128x128xf32, #tpu.memory_space<vmem>>
      %dma_start3A_507 = tpu.memref_squeeze %dma_start3A_506 : memref<1x2x128x128xf32, #tpu.memory_space<vmem>> -> memref<2x128x128xf32, #tpu.memory_space<vmem>>
      tpu.enqueue_dma source(%dma_start3A_507 : memref<2x128x128xf32, #tpu.memory_space<vmem>>) target(%dma_start3A_502 : memref<2x128x128xf32, #tpu.memory_space<hbm>>) target_semaphore(%dma_start3A_499 : memref<!tpu.dma_semaphore, #tpu.memory_space<semaphore_mem>>)
      %sub3A = arith.constant 2 : i32
      %sub3A_508 = arith.subi %add3A_446, %sub3A : i32
      %mul3A_509 = arith.constant 2 : i32
      %mul3A_510 = arith.muli %sub3A_508, %mul3A_509 : i32
      %add3A_511 = arith.addi %mul3A_6, %mul3A_510 : i32
      %dma_wait3A_512 = arith.constant 1 : i32
      %dma_wait3A_513 = arith.constant 1 : i32
      %dma_wait3A_514 = arith.constant 0 : i32
      %dma_wait3A_515 = arith.constant 0 : i32
      %dma_wait3A_516 = arith.constant 0 : i32
      %dma_wait3A_517 = tpu.memref_slice %arg7[%dma_wait3A_512, %dma_wait3A_514, %dma_wait3A_515, %dma_wait3A_516] : memref<3x2x128x128xf32, #tpu.memory_space<vmem>> -> memref<1x2x128x128xf32, #tpu.memory_space<vmem>>
      %dma_wait3A_518 = tpu.memref_squeeze %dma_wait3A_517 : memref<1x2x128x128xf32, #tpu.memory_space<vmem>> -> memref<2x128x128xf32, #tpu.memory_space<vmem>>
      %dma_wait3A_519 = arith.constant 0 : i32
      %dma_wait3A_520 = arith.constant 0 : i32
      %dma_wait3A_521 = tpu.memref_slice %arg4[%add3A_511, %dma_wait3A_519, %dma_wait3A_520] : memref<6400x128x128xf32, #tpu.memory_space<hbm>> -> memref<2x128x128xf32, #tpu.memory_space<hbm>>
      %dma_wait3A_522 = tpu.memref_slice %arg9[%dma_wait3A_513] : memref<3x!tpu.dma_semaphore, #tpu.memory_space<semaphore_mem>> -> memref<1x!tpu.dma_semaphore, #tpu.memory_space<semaphore_mem>>
      %dma_wait3A_523 = tpu.memref_squeeze %dma_wait3A_522 : memref<1x!tpu.dma_semaphore, #tpu.memory_space<semaphore_mem>> -> memref<!tpu.dma_semaphore, #tpu.memory_space<semaphore_mem>>
      %dma_wait3A_524 = arith.constant 0 : i32
      %dma_wait3A_525 = arith.constant 0 : i32
      %dma_wait3A_526 = tpu.memref_slice %arg4[%add3A_511, %dma_wait3A_524, %dma_wait3A_525] : memref<6400x128x128xf32, #tpu.memory_space<hbm>> -> memref<2x128x128xf32, #tpu.memory_space<hbm>>
      %dma_wait3A_527 = arith.constant 0 : i32
      %dma_wait3A_528 = arith.constant 0 : i32
      %dma_wait3A_529 = arith.constant 0 : i32
      %dma_wait3A_530 = tpu.memref_slice %arg7[%dma_wait3A_512, %dma_wait3A_527, %dma_wait3A_528, %dma_wait3A_529] : memref<3x2x128x128xf32, #tpu.memory_space<vmem>> -> memref<1x2x128x128xf32, #tpu.memory_space<vmem>>
      %dma_wait3A_531 = tpu.memref_squeeze %dma_wait3A_530 : memref<1x2x128x128xf32, #tpu.memory_space<vmem>> -> memref<2x128x128xf32, #tpu.memory_space<vmem>>
      tpu.wait_dma2 semaphore(%dma_wait3A_523 : memref<!tpu.dma_semaphore, #tpu.memory_space<semaphore_mem>>) src(%dma_wait3A_531 : memref<2x128x128xf32, #tpu.memory_space<vmem>>) dst(%dma_wait3A_526 : memref<2x128x128xf32, #tpu.memory_space<hbm>>)
      %add3A_532 = arith.constant 1 : i32
      %add3A_533 = arith.addi %add3A_446, %add3A_532 : i32
      %mul3A_534 = arith.constant 2 : i32
      %mul3A_535 = arith.muli %add3A_533, %mul3A_534 : i32
      %add3A_536 = arith.constant 0 : i32
      %add3A_537 = arith.addi %mul3A_535, %add3A_536 : i32
      %dma_start3A_538 = arith.constant 1 : i32
      %dma_start3A_539 = arith.constant 0 : i32
      %dma_start3A_540 = arith.constant 1 : i32
      %dma_start3A_541 = arith.constant 0 : i32
      %dma_start3A_542 = arith.constant 0 : i32
      %dma_start3A_543 = tpu.memref_slice %arg7[%dma_start3A_538, %dma_start3A_539, %dma_start3A_541, %dma_start3A_542] : memref<3x2x128x128xf32, #tpu.memory_space<vmem>> -> memref<1x1x128x128xf32, #tpu.memory_space<vmem>>
      %dma_start3A_544 = tpu.memref_squeeze %dma_start3A_543 : memref<1x1x128x128xf32, #tpu.memory_space<vmem>> -> memref<128x128xf32, #tpu.memory_space<vmem>>
      %dma_start3A_545 = arith.constant 0 : i32
      %dma_start3A_546 = tpu.memref_slice %arg6[%add3A_537, %dma_start3A_545] : memref<200x128xi32, #tpu.memory_space<vmem>> -> memref<1x128xi32, #tpu.memory_space<vmem>>
      %dma_start3A_547 = tpu.memref_squeeze %dma_start3A_546 : memref<1x128xi32, #tpu.memory_space<vmem>> -> memref<128xi32, #tpu.memory_space<vmem>>
      %dma_start3A_548 = arith.constant 0 : i32
      %dma_start3A_549 = arith.constant 0 : i32
      %dma_start3A_550 = tpu.memref_slice %arg5[%dma_start3A_548, %dma_start3A_549] : memref<128x128xf32, #tpu.memory_space<vmem_shared>> -> memref<128x128xf32, #tpu.memory_space<vmem_shared>>
      %dma_start3A_551 = tpu.memref_slice %arg8[%dma_start3A_540] : memref<3x!tpu.dma_semaphore, #tpu.memory_space<semaphore_mem>> -> memref<1x!tpu.dma_semaphore, #tpu.memory_space<semaphore_mem>>
      %dma_start3A_552 = tpu.memref_squeeze %dma_start3A_551 : memref<1x!tpu.dma_semaphore, #tpu.memory_space<semaphore_mem>> -> memref<!tpu.dma_semaphore, #tpu.memory_space<semaphore_mem>>
      tpu.enqueue_indirect_dma source(%dma_start3A_550 : memref<128x128xf32, #tpu.memory_space<vmem_shared>>) target(%dma_start3A_544 : memref<128x128xf32, #tpu.memory_space<vmem>>) offsets(%dma_start3A_547 : memref<128xi32, #tpu.memory_space<vmem>>) semaphore(%dma_start3A_552 : memref<!tpu.dma_semaphore, #tpu.memory_space<semaphore_mem>>)
      %mul3A_553 = arith.constant 2 : i32
      %mul3A_554 = arith.muli %add3A_533, %mul3A_553 : i32
      %add3A_555 = arith.constant 1 : i32
      %add3A_556 = arith.addi %mul3A_554, %add3A_555 : i32
      %dma_start3A_557 = arith.constant 1 : i32
      %dma_start3A_558 = arith.constant 1 : i32
      %dma_start3A_559 = arith.constant 1 : i32
      %dma_start3A_560 = arith.constant 0 : i32
      %dma_start3A_561 = arith.constant 0 : i32
      %dma_start3A_562 = tpu.memref_slice %arg7[%dma_start3A_557, %dma_start3A_558, %dma_start3A_560, %dma_start3A_561] : memref<3x2x128x128xf32, #tpu.memory_space<vmem>> -> memref<1x1x128x128xf32, #tpu.memory_space<vmem>>
      %dma_start3A_563 = tpu.memref_squeeze %dma_start3A_562 : memref<1x1x128x128xf32, #tpu.memory_space<vmem>> -> memref<128x128xf32, #tpu.memory_space<vmem>>
      %dma_start3A_564 = arith.constant 0 : i32
      %dma_start3A_565 = tpu.memref_slice %arg6[%add3A_556, %dma_start3A_564] : memref<200x128xi32, #tpu.memory_space<vmem>> -> memref<1x128xi32, #tpu.memory_space<vmem>>
      %dma_start3A_566 = tpu.memref_squeeze %dma_start3A_565 : memref<1x128xi32, #tpu.memory_space<vmem>> -> memref<128xi32, #tpu.memory_space<vmem>>
      %dma_start3A_567 = arith.constant 0 : i32
      %dma_start3A_568 = arith.constant 0 : i32
      %dma_start3A_569 = tpu.memref_slice %arg5[%dma_start3A_567, %dma_start3A_568] : memref<128x128xf32, #tpu.memory_space<vmem_shared>> -> memref<128x128xf32, #tpu.memory_space<vmem_shared>>
      %dma_start3A_570 = tpu.memref_slice %arg8[%dma_start3A_559] : memref<3x!tpu.dma_semaphore, #tpu.memory_space<semaphore_mem>> -> memref<1x!tpu.dma_semaphore, #tpu.memory_space<semaphore_mem>>
      %dma_start3A_571 = tpu.memref_squeeze %dma_start3A_570 : memref<1x!tpu.dma_semaphore, #tpu.memory_space<semaphore_mem>> -> memref<!tpu.dma_semaphore, #tpu.memory_space<semaphore_mem>>
      tpu.enqueue_indirect_dma source(%dma_start3A_569 : memref<128x128xf32, #tpu.memory_space<vmem_shared>>) target(%dma_start3A_563 : memref<128x128xf32, #tpu.memory_space<vmem>>) offsets(%dma_start3A_566 : memref<128xi32, #tpu.memory_space<vmem>>) semaphore(%dma_start3A_571 : memref<!tpu.dma_semaphore, #tpu.memory_space<semaphore_mem>>)
      %mul3A_572 = arith.constant 3 : i32
      %mul3A_573 = arith.muli %scan3A_442, %mul3A_572 : i32
      %add3A_574 = arith.constant 1 : i32
      %add3A_575 = arith.addi %mul3A_573, %add3A_574 : i32
      %mul3A_576 = arith.constant 2 : i32
      %mul3A_577 = arith.muli %add3A_575, %mul3A_576 : i32
      %add3A_578 = arith.constant 0 : i32
      %add3A_579 = arith.addi %mul3A_577, %add3A_578 : i32
      %dma_wait3A_580 = arith.constant 1 : i32
      %dma_wait3A_581 = arith.constant 0 : i32
      %dma_wait3A_582 = arith.constant 1 : i32
      %dma_wait3A_583 = arith.constant 0 : i32
      %dma_wait3A_584 = arith.constant 0 : i32
      %dma_wait3A_585 = tpu.memref_slice %arg7[%dma_wait3A_580, %dma_wait3A_581, %dma_wait3A_583, %dma_wait3A_584] : memref<3x2x128x128xf32, #tpu.memory_space<vmem>> -> memref<1x1x128x128xf32, #tpu.memory_space<vmem>>
      %dma_wait3A_586 = tpu.memref_squeeze %dma_wait3A_585 : memref<1x1x128x128xf32, #tpu.memory_space<vmem>> -> memref<128x128xf32, #tpu.memory_space<vmem>>
      %dma_wait3A_587 = arith.constant 0 : i32
      %dma_wait3A_588 = tpu.memref_slice %arg6[%add3A_579, %dma_wait3A_587] : memref<200x128xi32, #tpu.memory_space<vmem>> -> memref<1x128xi32, #tpu.memory_space<vmem>>
      %dma_wait3A_589 = tpu.memref_squeeze %dma_wait3A_588 : memref<1x128xi32, #tpu.memory_space<vmem>> -> memref<128xi32, #tpu.memory_space<vmem>>
      %dma_wait3A_590 = arith.constant 0 : i32
      %dma_wait3A_591 = arith.constant 0 : i32
      %dma_wait3A_592 = tpu.memref_slice %arg5[%dma_wait3A_590, %dma_wait3A_591] : memref<128x128xf32, #tpu.memory_space<vmem_shared>> -> memref<128x128xf32, #tpu.memory_space<vmem_shared>>
      %dma_wait3A_593 = tpu.memref_slice %arg8[%dma_wait3A_582] : memref<3x!tpu.dma_semaphore, #tpu.memory_space<semaphore_mem>> -> memref<1x!tpu.dma_semaphore, #tpu.memory_space<semaphore_mem>>
      %dma_wait3A_594 = tpu.memref_squeeze %dma_wait3A_593 : memref<1x!tpu.dma_semaphore, #tpu.memory_space<semaphore_mem>> -> memref<!tpu.dma_semaphore, #tpu.memory_space<semaphore_mem>>
      tpu.wait_indirect_dma semaphore(%dma_wait3A_594 : memref<!tpu.dma_semaphore, #tpu.memory_space<semaphore_mem>>) src(%dma_wait3A_592 : memref<128x128xf32, #tpu.memory_space<vmem_shared>>) dst(%dma_wait3A_586 : memref<128x128xf32, #tpu.memory_space<vmem>>)
      %mul3A_595 = arith.constant 2 : i32
      %mul3A_596 = arith.muli %add3A_575, %mul3A_595 : i32
      %add3A_597 = arith.constant 1 : i32
      %add3A_598 = arith.addi %mul3A_596, %add3A_597 : i32
      %dma_wait3A_599 = arith.constant 1 : i32
      %dma_wait3A_600 = arith.constant 1 : i32
      %dma_wait3A_601 = arith.constant 1 : i32
      %dma_wait3A_602 = arith.constant 0 : i32
      %dma_wait3A_603 = arith.constant 0 : i32
      %dma_wait3A_604 = tpu.memref_slice %arg7[%dma_wait3A_599, %dma_wait3A_600, %dma_wait3A_602, %dma_wait3A_603] : memref<3x2x128x128xf32, #tpu.memory_space<vmem>> -> memref<1x1x128x128xf32, #tpu.memory_space<vmem>>
      %dma_wait3A_605 = tpu.memref_squeeze %dma_wait3A_604 : memref<1x1x128x128xf32, #tpu.memory_space<vmem>> -> memref<128x128xf32, #tpu.memory_space<vmem>>
      %dma_wait3A_606 = arith.constant 0 : i32
      %dma_wait3A_607 = tpu.memref_slice %arg6[%add3A_598, %dma_wait3A_606] : memref<200x128xi32, #tpu.memory_space<vmem>> -> memref<1x128xi32, #tpu.memory_space<vmem>>
      %dma_wait3A_608 = tpu.memref_squeeze %dma_wait3A_607 : memref<1x128xi32, #tpu.memory_space<vmem>> -> memref<128xi32, #tpu.memory_space<vmem>>
      %dma_wait3A_609 = arith.constant 0 : i32
      %dma_wait3A_610 = arith.constant 0 : i32
      %dma_wait3A_611 = tpu.memref_slice %arg5[%dma_wait3A_609, %dma_wait3A_610] : memref<128x128xf32, #tpu.memory_space<vmem_shared>> -> memref<128x128xf32, #tpu.memory_space<vmem_shared>>
      %dma_wait3A_612 = tpu.memref_slice %arg8[%dma_wait3A_601] : memref<3x!tpu.dma_semaphore, #tpu.memory_space<semaphore_mem>> -> memref<1x!tpu.dma_semaphore, #tpu.memory_space<semaphore_mem>>
      %dma_wait3A_613 = tpu.memref_squeeze %dma_wait3A_612 : memref<1x!tpu.dma_semaphore, #tpu.memory_space<semaphore_mem>> -> memref<!tpu.dma_semaphore, #tpu.memory_space<semaphore_mem>>
      tpu.wait_indirect_dma semaphore(%dma_wait3A_613 : memref<!tpu.dma_semaphore, #tpu.memory_space<semaphore_mem>>) src(%dma_wait3A_611 : memref<128x128xf32, #tpu.memory_space<vmem_shared>>) dst(%dma_wait3A_605 : memref<128x128xf32, #tpu.memory_space<vmem>>)
      %mul3A_614 = arith.constant 2 : i32
      %mul3A_615 = arith.muli %add3A_575, %mul3A_614 : i32
      %add3A_616 = arith.addi %mul3A_6, %mul3A_615 : i32
      %dma_start3A_617 = arith.constant 1 : i32
      %dma_start3A_618 = arith.constant 1 : i32
      %dma_start3A_619 = arith.constant 0 : i32
      %dma_start3A_620 = arith.constant 0 : i32
      %dma_start3A_621 = arith.constant 0 : i32
      %dma_start3A_622 = tpu.memref_slice %arg7[%dma_start3A_617, %dma_start3A_619, %dma_start3A_620, %dma_start3A_621] : memref<3x2x128x128xf32, #tpu.memory_space<vmem>> -> memref<1x2x128x128xf32, #tpu.memory_space<vmem>>
      %dma_start3A_623 = tpu.memref_squeeze %dma_start3A_622 : memref<1x2x128x128xf32, #tpu.memory_space<vmem>> -> memref<2x128x128xf32, #tpu.memory_space<vmem>>
      %dma_start3A_624 = arith.constant 0 : i32
      %dma_start3A_625 = arith.constant 0 : i32
      %dma_start3A_626 = tpu.memref_slice %arg4[%add3A_616, %dma_start3A_624, %dma_start3A_625] : memref<6400x128x128xf32, #tpu.memory_space<hbm>> -> memref<2x128x128xf32, #tpu.memory_space<hbm>>
      %dma_start3A_627 = tpu.memref_slice %arg9[%dma_start3A_618] : memref<3x!tpu.dma_semaphore, #tpu.memory_space<semaphore_mem>> -> memref<1x!tpu.dma_semaphore, #tpu.memory_space<semaphore_mem>>
      %dma_start3A_628 = tpu.memref_squeeze %dma_start3A_627 : memref<1x!tpu.dma_semaphore, #tpu.memory_space<semaphore_mem>> -> memref<!tpu.dma_semaphore, #tpu.memory_space<semaphore_mem>>
      %dma_start3A_629 = arith.constant 0 : i32
      %dma_start3A_630 = arith.constant 0 : i32
      %dma_start3A_631 = tpu.memref_slice %arg4[%add3A_616, %dma_start3A_629, %dma_start3A_630] : memref<6400x128x128xf32, #tpu.memory_space<hbm>> -> memref<2x128x128xf32, #tpu.memory_space<hbm>>
      %dma_start3A_632 = arith.constant 0 : i32
      %dma_start3A_633 = arith.constant 0 : i32
      %dma_start3A_634 = arith.constant 0 : i32
      %dma_start3A_635 = tpu.memref_slice %arg7[%dma_start3A_617, %dma_start3A_632, %dma_start3A_633, %dma_start3A_634] : memref<3x2x128x128xf32, #tpu.memory_space<vmem>> -> memref<1x2x128x128xf32, #tpu.memory_space<vmem>>
      %dma_start3A_636 = tpu.memref_squeeze %dma_start3A_635 : memref<1x2x128x128xf32, #tpu.memory_space<vmem>> -> memref<2x128x128xf32, #tpu.memory_space<vmem>>
      tpu.enqueue_dma source(%dma_start3A_636 : memref<2x128x128xf32, #tpu.memory_space<vmem>>) target(%dma_start3A_631 : memref<2x128x128xf32, #tpu.memory_space<hbm>>) target_semaphore(%dma_start3A_628 : memref<!tpu.dma_semaphore, #tpu.memory_space<semaphore_mem>>)
      %sub3A_637 = arith.constant 2 : i32
      %sub3A_638 = arith.subi %add3A_575, %sub3A_637 : i32
      %mul3A_639 = arith.constant 2 : i32
      %mul3A_640 = arith.muli %sub3A_638, %mul3A_639 : i32
      %add3A_641 = arith.addi %mul3A_6, %mul3A_640 : i32
      %dma_wait3A_642 = arith.constant 2 : i32
      %dma_wait3A_643 = arith.constant 2 : i32
      %dma_wait3A_644 = arith.constant 0 : i32
      %dma_wait3A_645 = arith.constant 0 : i32
      %dma_wait3A_646 = arith.constant 0 : i32
      %dma_wait3A_647 = tpu.memref_slice %arg7[%dma_wait3A_642, %dma_wait3A_644, %dma_wait3A_645, %dma_wait3A_646] : memref<3x2x128x128xf32, #tpu.memory_space<vmem>> -> memref<1x2x128x128xf32, #tpu.memory_space<vmem>>
      %dma_wait3A_648 = tpu.memref_squeeze %dma_wait3A_647 : memref<1x2x128x128xf32, #tpu.memory_space<vmem>> -> memref<2x128x128xf32, #tpu.memory_space<vmem>>
      %dma_wait3A_649 = arith.constant 0 : i32
      %dma_wait3A_650 = arith.constant 0 : i32
      %dma_wait3A_651 = tpu.memref_slice %arg4[%add3A_641, %dma_wait3A_649, %dma_wait3A_650] : memref<6400x128x128xf32, #tpu.memory_space<hbm>> -> memref<2x128x128xf32, #tpu.memory_space<hbm>>
      %dma_wait3A_652 = tpu.memref_slice %arg9[%dma_wait3A_643] : memref<3x!tpu.dma_semaphore, #tpu.memory_space<semaphore_mem>> -> memref<1x!tpu.dma_semaphore, #tpu.memory_space<semaphore_mem>>
      %dma_wait3A_653 = tpu.memref_squeeze %dma_wait3A_652 : memref<1x!tpu.dma_semaphore, #tpu.memory_space<semaphore_mem>> -> memref<!tpu.dma_semaphore, #tpu.memory_space<semaphore_mem>>
      %dma_wait3A_654 = arith.constant 0 : i32
      %dma_wait3A_655 = arith.constant 0 : i32
      %dma_wait3A_656 = tpu.memref_slice %arg4[%add3A_641, %dma_wait3A_654, %dma_wait3A_655] : memref<6400x128x128xf32, #tpu.memory_space<hbm>> -> memref<2x128x128xf32, #tpu.memory_space<hbm>>
      %dma_wait3A_657 = arith.constant 0 : i32
      %dma_wait3A_658 = arith.constant 0 : i32
      %dma_wait3A_659 = arith.constant 0 : i32
      %dma_wait3A_660 = tpu.memref_slice %arg7[%dma_wait3A_642, %dma_wait3A_657, %dma_wait3A_658, %dma_wait3A_659] : memref<3x2x128x128xf32, #tpu.memory_space<vmem>> -> memref<1x2x128x128xf32, #tpu.memory_space<vmem>>
      %dma_wait3A_661 = tpu.memref_squeeze %dma_wait3A_660 : memref<1x2x128x128xf32, #tpu.memory_space<vmem>> -> memref<2x128x128xf32, #tpu.memory_space<vmem>>
      tpu.wait_dma2 semaphore(%dma_wait3A_653 : memref<!tpu.dma_semaphore, #tpu.memory_space<semaphore_mem>>) src(%dma_wait3A_661 : memref<2x128x128xf32, #tpu.memory_space<vmem>>) dst(%dma_wait3A_656 : memref<2x128x128xf32, #tpu.memory_space<hbm>>)
      %add3A_662 = arith.constant 1 : i32
      %add3A_663 = arith.addi %add3A_575, %add3A_662 : i32
      %mul3A_664 = arith.constant 2 : i32
      %mul3A_665 = arith.muli %add3A_663, %mul3A_664 : i32
      %add3A_666 = arith.constant 0 : i32
      %add3A_667 = arith.addi %mul3A_665, %add3A_666 : i32
      %dma_start3A_668 = arith.constant 2 : i32
      %dma_start3A_669 = arith.constant 0 : i32
      %dma_start3A_670 = arith.constant 2 : i32
      %dma_start3A_671 = arith.constant 0 : i32
      %dma_start3A_672 = arith.constant 0 : i32
      %dma_start3A_673 = tpu.memref_slice %arg7[%dma_start3A_668, %dma_start3A_669, %dma_start3A_671, %dma_start3A_672] : memref<3x2x128x128xf32, #tpu.memory_space<vmem>> -> memref<1x1x128x128xf32, #tpu.memory_space<vmem>>
      %dma_start3A_674 = tpu.memref_squeeze %dma_start3A_673 : memref<1x1x128x128xf32, #tpu.memory_space<vmem>> -> memref<128x128xf32, #tpu.memory_space<vmem>>
      %dma_start3A_675 = arith.constant 0 : i32
      %dma_start3A_676 = tpu.memref_slice %arg6[%add3A_667, %dma_start3A_675] : memref<200x128xi32, #tpu.memory_space<vmem>> -> memref<1x128xi32, #tpu.memory_space<vmem>>
      %dma_start3A_677 = tpu.memref_squeeze %dma_start3A_676 : memref<1x128xi32, #tpu.memory_space<vmem>> -> memref<128xi32, #tpu.memory_space<vmem>>
      %dma_start3A_678 = arith.constant 0 : i32
      %dma_start3A_679 = arith.constant 0 : i32
      %dma_start3A_680 = tpu.memref_slice %arg5[%dma_start3A_678, %dma_start3A_679] : memref<128x128xf32, #tpu.memory_space<vmem_shared>> -> memref<128x128xf32, #tpu.memory_space<vmem_shared>>
      %dma_start3A_681 = tpu.memref_slice %arg8[%dma_start3A_670] : memref<3x!tpu.dma_semaphore, #tpu.memory_space<semaphore_mem>> -> memref<1x!tpu.dma_semaphore, #tpu.memory_space<semaphore_mem>>
      %dma_start3A_682 = tpu.memref_squeeze %dma_start3A_681 : memref<1x!tpu.dma_semaphore, #tpu.memory_space<semaphore_mem>> -> memref<!tpu.dma_semaphore, #tpu.memory_space<semaphore_mem>>
      tpu.enqueue_indirect_dma source(%dma_start3A_680 : memref<128x128xf32, #tpu.memory_space<vmem_shared>>) target(%dma_start3A_674 : memref<128x128xf32, #tpu.memory_space<vmem>>) offsets(%dma_start3A_677 : memref<128xi32, #tpu.memory_space<vmem>>) semaphore(%dma_start3A_682 : memref<!tpu.dma_semaphore, #tpu.memory_space<semaphore_mem>>)
      %mul3A_683 = arith.constant 2 : i32
      %mul3A_684 = arith.muli %add3A_663, %mul3A_683 : i32
      %add3A_685 = arith.constant 1 : i32
      %add3A_686 = arith.addi %mul3A_684, %add3A_685 : i32
      %dma_start3A_687 = arith.constant 2 : i32
      %dma_start3A_688 = arith.constant 1 : i32
      %dma_start3A_689 = arith.constant 2 : i32
      %dma_start3A_690 = arith.constant 0 : i32
      %dma_start3A_691 = arith.constant 0 : i32
      %dma_start3A_692 = tpu.memref_slice %arg7[%dma_start3A_687, %dma_start3A_688, %dma_start3A_690, %dma_start3A_691] : memref<3x2x128x128xf32, #tpu.memory_space<vmem>> -> memref<1x1x128x128xf32, #tpu.memory_space<vmem>>
      %dma_start3A_693 = tpu.memref_squeeze %dma_start3A_692 : memref<1x1x128x128xf32, #tpu.memory_space<vmem>> -> memref<128x128xf32, #tpu.memory_space<vmem>>
      %dma_start3A_694 = arith.constant 0 : i32
      %dma_start3A_695 = tpu.memref_slice %arg6[%add3A_686, %dma_start3A_694] : memref<200x128xi32, #tpu.memory_space<vmem>> -> memref<1x128xi32, #tpu.memory_space<vmem>>
      %dma_start3A_696 = tpu.memref_squeeze %dma_start3A_695 : memref<1x128xi32, #tpu.memory_space<vmem>> -> memref<128xi32, #tpu.memory_space<vmem>>
      %dma_start3A_697 = arith.constant 0 : i32
      %dma_start3A_698 = arith.constant 0 : i32
      %dma_start3A_699 = tpu.memref_slice %arg5[%dma_start3A_697, %dma_start3A_698] : memref<128x128xf32, #tpu.memory_space<vmem_shared>> -> memref<128x128xf32, #tpu.memory_space<vmem_shared>>
      %dma_start3A_700 = tpu.memref_slice %arg8[%dma_start3A_689] : memref<3x!tpu.dma_semaphore, #tpu.memory_space<semaphore_mem>> -> memref<1x!tpu.dma_semaphore, #tpu.memory_space<semaphore_mem>>
      %dma_start3A_701 = tpu.memref_squeeze %dma_start3A_700 : memref<1x!tpu.dma_semaphore, #tpu.memory_space<semaphore_mem>> -> memref<!tpu.dma_semaphore, #tpu.memory_space<semaphore_mem>>
      tpu.enqueue_indirect_dma source(%dma_start3A_699 : memref<128x128xf32, #tpu.memory_space<vmem_shared>>) target(%dma_start3A_693 : memref<128x128xf32, #tpu.memory_space<vmem>>) offsets(%dma_start3A_696 : memref<128xi32, #tpu.memory_space<vmem>>) semaphore(%dma_start3A_701 : memref<!tpu.dma_semaphore, #tpu.memory_space<semaphore_mem>>)
      %mul3A_702 = arith.constant 3 : i32
      %mul3A_703 = arith.muli %scan3A_442, %mul3A_702 : i32
      %add3A_704 = arith.constant 2 : i32
      %add3A_705 = arith.addi %mul3A_703, %add3A_704 : i32
      %mul3A_706 = arith.constant 2 : i32
      %mul3A_707 = arith.muli %add3A_705, %mul3A_706 : i32
      %add3A_708 = arith.constant 0 : i32
      %add3A_709 = arith.addi %mul3A_707, %add3A_708 : i32
      %dma_wait3A_710 = arith.constant 2 : i32
      %dma_wait3A_711 = arith.constant 0 : i32
      %dma_wait3A_712 = arith.constant 2 : i32
      %dma_wait3A_713 = arith.constant 0 : i32
      %dma_wait3A_714 = arith.constant 0 : i32
      %dma_wait3A_715 = tpu.memref_slice %arg7[%dma_wait3A_710, %dma_wait3A_711, %dma_wait3A_713, %dma_wait3A_714] : memref<3x2x128x128xf32, #tpu.memory_space<vmem>> -> memref<1x1x128x128xf32, #tpu.memory_space<vmem>>
      %dma_wait3A_716 = tpu.memref_squeeze %dma_wait3A_715 : memref<1x1x128x128xf32, #tpu.memory_space<vmem>> -> memref<128x128xf32, #tpu.memory_space<vmem>>
      %dma_wait3A_717 = arith.constant 0 : i32
      %dma_wait3A_718 = tpu.memref_slice %arg6[%add3A_709, %dma_wait3A_717] : memref<200x128xi32, #tpu.memory_space<vmem>> -> memref<1x128xi32, #tpu.memory_space<vmem>>
      %dma_wait3A_719 = tpu.memref_squeeze %dma_wait3A_718 : memref<1x128xi32, #tpu.memory_space<vmem>> -> memref<128xi32, #tpu.memory_space<vmem>>
      %dma_wait3A_720 = arith.constant 0 : i32
      %dma_wait3A_721 = arith.constant 0 : i32
      %dma_wait3A_722 = tpu.memref_slice %arg5[%dma_wait3A_720, %dma_wait3A_721] : memref<128x128xf32, #tpu.memory_space<vmem_shared>> -> memref<128x128xf32, #tpu.memory_space<vmem_shared>>
      %dma_wait3A_723 = tpu.memref_slice %arg8[%dma_wait3A_712] : memref<3x!tpu.dma_semaphore, #tpu.memory_space<semaphore_mem>> -> memref<1x!tpu.dma_semaphore, #tpu.memory_space<semaphore_mem>>
      %dma_wait3A_724 = tpu.memref_squeeze %dma_wait3A_723 : memref<1x!tpu.dma_semaphore, #tpu.memory_space<semaphore_mem>> -> memref<!tpu.dma_semaphore, #tpu.memory_space<semaphore_mem>>
      tpu.wait_indirect_dma semaphore(%dma_wait3A_724 : memref<!tpu.dma_semaphore, #tpu.memory_space<semaphore_mem>>) src(%dma_wait3A_722 : memref<128x128xf32, #tpu.memory_space<vmem_shared>>) dst(%dma_wait3A_716 : memref<128x128xf32, #tpu.memory_space<vmem>>)
      %mul3A_725 = arith.constant 2 : i32
      %mul3A_726 = arith.muli %add3A_705, %mul3A_725 : i32
      %add3A_727 = arith.constant 1 : i32
      %add3A_728 = arith.addi %mul3A_726, %add3A_727 : i32
      %dma_wait3A_729 = arith.constant 2 : i32
      %dma_wait3A_730 = arith.constant 1 : i32
      %dma_wait3A_731 = arith.constant 2 : i32
      %dma_wait3A_732 = arith.constant 0 : i32
      %dma_wait3A_733 = arith.constant 0 : i32
      %dma_wait3A_734 = tpu.memref_slice %arg7[%dma_wait3A_729, %dma_wait3A_730, %dma_wait3A_732, %dma_wait3A_733] : memref<3x2x128x128xf32, #tpu.memory_space<vmem>> -> memref<1x1x128x128xf32, #tpu.memory_space<vmem>>
      %dma_wait3A_735 = tpu.memref_squeeze %dma_wait3A_734 : memref<1x1x128x128xf32, #tpu.memory_space<vmem>> -> memref<128x128xf32, #tpu.memory_space<vmem>>
      %dma_wait3A_736 = arith.constant 0 : i32
      %dma_wait3A_737 = tpu.memref_slice %arg6[%add3A_728, %dma_wait3A_736] : memref<200x128xi32, #tpu.memory_space<vmem>> -> memref<1x128xi32, #tpu.memory_space<vmem>>
      %dma_wait3A_738 = tpu.memref_squeeze %dma_wait3A_737 : memref<1x128xi32, #tpu.memory_space<vmem>> -> memref<128xi32, #tpu.memory_space<vmem>>
      %dma_wait3A_739 = arith.constant 0 : i32
      %dma_wait3A_740 = arith.constant 0 : i32
      %dma_wait3A_741 = tpu.memref_slice %arg5[%dma_wait3A_739, %dma_wait3A_740] : memref<128x128xf32, #tpu.memory_space<vmem_shared>> -> memref<128x128xf32, #tpu.memory_space<vmem_shared>>
      %dma_wait3A_742 = tpu.memref_slice %arg8[%dma_wait3A_731] : memref<3x!tpu.dma_semaphore, #tpu.memory_space<semaphore_mem>> -> memref<1x!tpu.dma_semaphore, #tpu.memory_space<semaphore_mem>>
      %dma_wait3A_743 = tpu.memref_squeeze %dma_wait3A_742 : memref<1x!tpu.dma_semaphore, #tpu.memory_space<semaphore_mem>> -> memref<!tpu.dma_semaphore, #tpu.memory_space<semaphore_mem>>
      tpu.wait_indirect_dma semaphore(%dma_wait3A_743 : memref<!tpu.dma_semaphore, #tpu.memory_space<semaphore_mem>>) src(%dma_wait3A_741 : memref<128x128xf32, #tpu.memory_space<vmem_shared>>) dst(%dma_wait3A_735 : memref<128x128xf32, #tpu.memory_space<vmem>>)
      %mul3A_744 = arith.constant 2 : i32
      %mul3A_745 = arith.muli %add3A_705, %mul3A_744 : i32
      %add3A_746 = arith.addi %mul3A_6, %mul3A_745 : i32
      %dma_start3A_747 = arith.constant 2 : i32
      %dma_start3A_748 = arith.constant 2 : i32
      %dma_start3A_749 = arith.constant 0 : i32
      %dma_start3A_750 = arith.constant 0 : i32
      %dma_start3A_751 = arith.constant 0 : i32
      %dma_start3A_752 = tpu.memref_slice %arg7[%dma_start3A_747, %dma_start3A_749, %dma_start3A_750, %dma_start3A_751] : memref<3x2x128x128xf32, #tpu.memory_space<vmem>> -> memref<1x2x128x128xf32, #tpu.memory_space<vmem>>
      %dma_start3A_753 = tpu.memref_squeeze %dma_start3A_752 : memref<1x2x128x128xf32, #tpu.memory_space<vmem>> -> memref<2x128x128xf32, #tpu.memory_space<vmem>>
      %dma_start3A_754 = arith.constant 0 : i32
      %dma_start3A_755 = arith.constant 0 : i32
      %dma_start3A_756 = tpu.memref_slice %arg4[%add3A_746, %dma_start3A_754, %dma_start3A_755] : memref<6400x128x128xf32, #tpu.memory_space<hbm>> -> memref<2x128x128xf32, #tpu.memory_space<hbm>>
      %dma_start3A_757 = tpu.memref_slice %arg9[%dma_start3A_748] : memref<3x!tpu.dma_semaphore, #tpu.memory_space<semaphore_mem>> -> memref<1x!tpu.dma_semaphore, #tpu.memory_space<semaphore_mem>>
      %dma_start3A_758 = tpu.memref_squeeze %dma_start3A_757 : memref<1x!tpu.dma_semaphore, #tpu.memory_space<semaphore_mem>> -> memref<!tpu.dma_semaphore, #tpu.memory_space<semaphore_mem>>
      %dma_start3A_759 = arith.constant 0 : i32
      %dma_start3A_760 = arith.constant 0 : i32
      %dma_start3A_761 = tpu.memref_slice %arg4[%add3A_746, %dma_start3A_759, %dma_start3A_760] : memref<6400x128x128xf32, #tpu.memory_space<hbm>> -> memref<2x128x128xf32, #tpu.memory_space<hbm>>
      %dma_start3A_762 = arith.constant 0 : i32
      %dma_start3A_763 = arith.constant 0 : i32
      %dma_start3A_764 = arith.constant 0 : i32
      %dma_start3A_765 = tpu.memref_slice %arg7[%dma_start3A_747, %dma_start3A_762, %dma_start3A_763, %dma_start3A_764] : memref<3x2x128x128xf32, #tpu.memory_space<vmem>> -> memref<1x2x128x128xf32, #tpu.memory_space<vmem>>
      %dma_start3A_766 = tpu.memref_squeeze %dma_start3A_765 : memref<1x2x128x128xf32, #tpu.memory_space<vmem>> -> memref<2x128x128xf32, #tpu.memory_space<vmem>>
      tpu.enqueue_dma source(%dma_start3A_766 : memref<2x128x128xf32, #tpu.memory_space<vmem>>) target(%dma_start3A_761 : memref<2x128x128xf32, #tpu.memory_space<hbm>>) target_semaphore(%dma_start3A_758 : memref<!tpu.dma_semaphore, #tpu.memory_space<semaphore_mem>>)
      %sub3A_767 = arith.constant 2 : i32
      %sub3A_768 = arith.subi %add3A_705, %sub3A_767 : i32
      %mul3A_769 = arith.constant 2 : i32
      %mul3A_770 = arith.muli %sub3A_768, %mul3A_769 : i32
      %add3A_771 = arith.addi %mul3A_6, %mul3A_770 : i32
      %dma_wait3A_772 = arith.constant 0 : i32
      %dma_wait3A_773 = arith.constant 0 : i32
      %dma_wait3A_774 = arith.constant 0 : i32
      %dma_wait3A_775 = arith.constant 0 : i32
      %dma_wait3A_776 = arith.constant 0 : i32
      %dma_wait3A_777 = tpu.memref_slice %arg7[%dma_wait3A_772, %dma_wait3A_774, %dma_wait3A_775, %dma_wait3A_776] : memref<3x2x128x128xf32, #tpu.memory_space<vmem>> -> memref<1x2x128x128xf32, #tpu.memory_space<vmem>>
      %dma_wait3A_778 = tpu.memref_squeeze %dma_wait3A_777 : memref<1x2x128x128xf32, #tpu.memory_space<vmem>> -> memref<2x128x128xf32, #tpu.memory_space<vmem>>
      %dma_wait3A_779 = arith.constant 0 : i32
      %dma_wait3A_780 = arith.constant 0 : i32
      %dma_wait3A_781 = tpu.memref_slice %arg4[%add3A_771, %dma_wait3A_779, %dma_wait3A_780] : memref<6400x128x128xf32, #tpu.memory_space<hbm>> -> memref<2x128x128xf32, #tpu.memory_space<hbm>>
      %dma_wait3A_782 = tpu.memref_slice %arg9[%dma_wait3A_773] : memref<3x!tpu.dma_semaphore, #tpu.memory_space<semaphore_mem>> -> memref<1x!tpu.dma_semaphore, #tpu.memory_space<semaphore_mem>>
      %dma_wait3A_783 = tpu.memref_squeeze %dma_wait3A_782 : memref<1x!tpu.dma_semaphore, #tpu.memory_space<semaphore_mem>> -> memref<!tpu.dma_semaphore, #tpu.memory_space<semaphore_mem>>
      %dma_wait3A_784 = arith.constant 0 : i32
      %dma_wait3A_785 = arith.constant 0 : i32
      %dma_wait3A_786 = tpu.memref_slice %arg4[%add3A_771, %dma_wait3A_784, %dma_wait3A_785] : memref<6400x128x128xf32, #tpu.memory_space<hbm>> -> memref<2x128x128xf32, #tpu.memory_space<hbm>>
      %dma_wait3A_787 = arith.constant 0 : i32
      %dma_wait3A_788 = arith.constant 0 : i32
      %dma_wait3A_789 = arith.constant 0 : i32
      %dma_wait3A_790 = tpu.memref_slice %arg7[%dma_wait3A_772, %dma_wait3A_787, %dma_wait3A_788, %dma_wait3A_789] : memref<3x2x128x128xf32, #tpu.memory_space<vmem>> -> memref<1x2x128x128xf32, #tpu.memory_space<vmem>>
      %dma_wait3A_791 = tpu.memref_squeeze %dma_wait3A_790 : memref<1x2x128x128xf32, #tpu.memory_space<vmem>> -> memref<2x128x128xf32, #tpu.memory_space<vmem>>
      tpu.wait_dma2 semaphore(%dma_wait3A_783 : memref<!tpu.dma_semaphore, #tpu.memory_space<semaphore_mem>>) src(%dma_wait3A_791 : memref<2x128x128xf32, #tpu.memory_space<vmem>>) dst(%dma_wait3A_786 : memref<2x128x128xf32, #tpu.memory_space<hbm>>)
      %add3A_792 = arith.constant 1 : i32
      %add3A_793 = arith.addi %add3A_705, %add3A_792 : i32
      %mul3A_794 = arith.constant 2 : i32
      %mul3A_795 = arith.muli %add3A_793, %mul3A_794 : i32
      %add3A_796 = arith.constant 0 : i32
      %add3A_797 = arith.addi %mul3A_795, %add3A_796 : i32
      %dma_start3A_798 = arith.constant 0 : i32
      %dma_start3A_799 = arith.constant 0 : i32
      %dma_start3A_800 = arith.constant 0 : i32
      %dma_start3A_801 = arith.constant 0 : i32
      %dma_start3A_802 = arith.constant 0 : i32
      %dma_start3A_803 = tpu.memref_slice %arg7[%dma_start3A_798, %dma_start3A_799, %dma_start3A_801, %dma_start3A_802] : memref<3x2x128x128xf32, #tpu.memory_space<vmem>> -> memref<1x1x128x128xf32, #tpu.memory_space<vmem>>
      %dma_start3A_804 = tpu.memref_squeeze %dma_start3A_803 : memref<1x1x128x128xf32, #tpu.memory_space<vmem>> -> memref<128x128xf32, #tpu.memory_space<vmem>>
      %dma_start3A_805 = arith.constant 0 : i32
      %dma_start3A_806 = tpu.memref_slice %arg6[%add3A_797, %dma_start3A_805] : memref<200x128xi32, #tpu.memory_space<vmem>> -> memref<1x128xi32, #tpu.memory_space<vmem>>
      %dma_start3A_807 = tpu.memref_squeeze %dma_start3A_806 : memref<1x128xi32, #tpu.memory_space<vmem>> -> memref<128xi32, #tpu.memory_space<vmem>>
      %dma_start3A_808 = arith.constant 0 : i32
      %dma_start3A_809 = arith.constant 0 : i32
      %dma_start3A_810 = tpu.memref_slice %arg5[%dma_start3A_808, %dma_start3A_809] : memref<128x128xf32, #tpu.memory_space<vmem_shared>> -> memref<128x128xf32, #tpu.memory_space<vmem_shared>>
      %dma_start3A_811 = tpu.memref_slice %arg8[%dma_start3A_800] : memref<3x!tpu.dma_semaphore, #tpu.memory_space<semaphore_mem>> -> memref<1x!tpu.dma_semaphore, #tpu.memory_space<semaphore_mem>>
      %dma_start3A_812 = tpu.memref_squeeze %dma_start3A_811 : memref<1x!tpu.dma_semaphore, #tpu.memory_space<semaphore_mem>> -> memref<!tpu.dma_semaphore, #tpu.memory_space<semaphore_mem>>
      tpu.enqueue_indirect_dma source(%dma_start3A_810 : memref<128x128xf32, #tpu.memory_space<vmem_shared>>) target(%dma_start3A_804 : memref<128x128xf32, #tpu.memory_space<vmem>>) offsets(%dma_start3A_807 : memref<128xi32, #tpu.memory_space<vmem>>) semaphore(%dma_start3A_812 : memref<!tpu.dma_semaphore, #tpu.memory_space<semaphore_mem>>)
      %mul3A_813 = arith.constant 2 : i32
      %mul3A_814 = arith.muli %add3A_793, %mul3A_813 : i32
      %add3A_815 = arith.constant 1 : i32
      %add3A_816 = arith.addi %mul3A_814, %add3A_815 : i32
      %dma_start3A_817 = arith.constant 0 : i32
      %dma_start3A_818 = arith.constant 1 : i32
      %dma_start3A_819 = arith.constant 0 : i32
      %dma_start3A_820 = arith.constant 0 : i32
      %dma_start3A_821 = arith.constant 0 : i32
      %dma_start3A_822 = tpu.memref_slice %arg7[%dma_start3A_817, %dma_start3A_818, %dma_start3A_820, %dma_start3A_821] : memref<3x2x128x128xf32, #tpu.memory_space<vmem>> -> memref<1x1x128x128xf32, #tpu.memory_space<vmem>>
      %dma_start3A_823 = tpu.memref_squeeze %dma_start3A_822 : memref<1x1x128x128xf32, #tpu.memory_space<vmem>> -> memref<128x128xf32, #tpu.memory_space<vmem>>
      %dma_start3A_824 = arith.constant 0 : i32
      %dma_start3A_825 = tpu.memref_slice %arg6[%add3A_816, %dma_start3A_824] : memref<200x128xi32, #tpu.memory_space<vmem>> -> memref<1x128xi32, #tpu.memory_space<vmem>>
      %dma_start3A_826 = tpu.memref_squeeze %dma_start3A_825 : memref<1x128xi32, #tpu.memory_space<vmem>> -> memref<128xi32, #tpu.memory_space<vmem>>
      %dma_start3A_827 = arith.constant 0 : i32
      %dma_start3A_828 = arith.constant 0 : i32
      %dma_start3A_829 = tpu.memref_slice %arg5[%dma_start3A_827, %dma_start3A_828] : memref<128x128xf32, #tpu.memory_space<vmem_shared>> -> memref<128x128xf32, #tpu.memory_space<vmem_shared>>
      %dma_start3A_830 = tpu.memref_slice %arg8[%dma_start3A_819] : memref<3x!tpu.dma_semaphore, #tpu.memory_space<semaphore_mem>> -> memref<1x!tpu.dma_semaphore, #tpu.memory_space<semaphore_mem>>
      %dma_start3A_831 = tpu.memref_squeeze %dma_start3A_830 : memref<1x!tpu.dma_semaphore, #tpu.memory_space<semaphore_mem>> -> memref<!tpu.dma_semaphore, #tpu.memory_space<semaphore_mem>>
      tpu.enqueue_indirect_dma source(%dma_start3A_829 : memref<128x128xf32, #tpu.memory_space<vmem_shared>>) target(%dma_start3A_823 : memref<128x128xf32, #tpu.memory_space<vmem>>) offsets(%dma_start3A_826 : memref<128xi32, #tpu.memory_space<vmem>>) semaphore(%dma_start3A_831 : memref<!tpu.dma_semaphore, #tpu.memory_space<semaphore_mem>>)
    }
    %scan3A_321 = arith.constant 32 : i32
    %dma_wait3A_322 = arith.constant 198 : i32
    %dma_wait3A_323 = arith.constant 0 : i32
    %dma_wait3A_324 = arith.constant 0 : i32
    %dma_wait3A_325 = arith.constant 0 : i32
    %dma_wait3A_326 = arith.constant 0 : i32
    %dma_wait3A_327 = arith.constant 0 : i32
    %dma_wait3A_328 = tpu.memref_slice %arg7[%dma_wait3A_323, %dma_wait3A_324, %dma_wait3A_326, %dma_wait3A_327] : memref<3x2x128x128xf32, #tpu.memory_space<vmem>> -> memref<1x1x128x128xf32, #tpu.memory_space<vmem>>
    %dma_wait3A_329 = tpu.memref_squeeze %dma_wait3A_328 : memref<1x1x128x128xf32, #tpu.memory_space<vmem>> -> memref<128x128xf32, #tpu.memory_space<vmem>>
    %dma_wait3A_330 = arith.constant 0 : i32
    %dma_wait3A_331 = tpu.memref_slice %arg6[%dma_wait3A_322, %dma_wait3A_330] : memref<200x128xi32, #tpu.memory_space<vmem>> -> memref<1x128xi32, #tpu.memory_space<vmem>>
    %dma_wait3A_332 = tpu.memref_squeeze %dma_wait3A_331 : memref<1x128xi32, #tpu.memory_space<vmem>> -> memref<128xi32, #tpu.memory_space<vmem>>
    %dma_wait3A_333 = arith.constant 0 : i32
    %dma_wait3A_334 = arith.constant 0 : i32
    %dma_wait3A_335 = tpu.memref_slice %arg5[%dma_wait3A_333, %dma_wait3A_334] : memref<128x128xf32, #tpu.memory_space<vmem_shared>> -> memref<128x128xf32, #tpu.memory_space<vmem_shared>>
    %dma_wait3A_336 = tpu.memref_slice %arg8[%dma_wait3A_325] : memref<3x!tpu.dma_semaphore, #tpu.memory_space<semaphore_mem>> -> memref<1x!tpu.dma_semaphore, #tpu.memory_space<semaphore_mem>>
    %dma_wait3A_337 = tpu.memref_squeeze %dma_wait3A_336 : memref<1x!tpu.dma_semaphore, #tpu.memory_space<semaphore_mem>> -> memref<!tpu.dma_semaphore, #tpu.memory_space<semaphore_mem>>
    tpu.wait_indirect_dma semaphore(%dma_wait3A_337 : memref<!tpu.dma_semaphore, #tpu.memory_space<semaphore_mem>>) src(%dma_wait3A_335 : memref<128x128xf32, #tpu.memory_space<vmem_shared>>) dst(%dma_wait3A_329 : memref<128x128xf32, #tpu.memory_space<vmem>>)
    %dma_wait3A_338 = arith.constant 199 : i32
    %dma_wait3A_339 = arith.constant 0 : i32
    %dma_wait3A_340 = arith.constant 1 : i32
    %dma_wait3A_341 = arith.constant 0 : i32
    %dma_wait3A_342 = arith.constant 0 : i32
    %dma_wait3A_343 = arith.constant 0 : i32
    %dma_wait3A_344 = tpu.memref_slice %arg7[%dma_wait3A_339, %dma_wait3A_340, %dma_wait3A_342, %dma_wait3A_343] : memref<3x2x128x128xf32, #tpu.memory_space<vmem>> -> memref<1x1x128x128xf32, #tpu.memory_space<vmem>>
    %dma_wait3A_345 = tpu.memref_squeeze %dma_wait3A_344 : memref<1x1x128x128xf32, #tpu.memory_space<vmem>> -> memref<128x128xf32, #tpu.memory_space<vmem>>
    %dma_wait3A_346 = arith.constant 0 : i32
    %dma_wait3A_347 = tpu.memref_slice %arg6[%dma_wait3A_338, %dma_wait3A_346] : memref<200x128xi32, #tpu.memory_space<vmem>> -> memref<1x128xi32, #tpu.memory_space<vmem>>
    %dma_wait3A_348 = tpu.memref_squeeze %dma_wait3A_347 : memref<1x128xi32, #tpu.memory_space<vmem>> -> memref<128xi32, #tpu.memory_space<vmem>>
    %dma_wait3A_349 = arith.constant 0 : i32
    %dma_wait3A_350 = arith.constant 0 : i32
    %dma_wait3A_351 = tpu.memref_slice %arg5[%dma_wait3A_349, %dma_wait3A_350] : memref<128x128xf32, #tpu.memory_space<vmem_shared>> -> memref<128x128xf32, #tpu.memory_space<vmem_shared>>
    %dma_wait3A_352 = tpu.memref_slice %arg8[%dma_wait3A_341] : memref<3x!tpu.dma_semaphore, #tpu.memory_space<semaphore_mem>> -> memref<1x!tpu.dma_semaphore, #tpu.memory_space<semaphore_mem>>
    %dma_wait3A_353 = tpu.memref_squeeze %dma_wait3A_352 : memref<1x!tpu.dma_semaphore, #tpu.memory_space<semaphore_mem>> -> memref<!tpu.dma_semaphore, #tpu.memory_space<semaphore_mem>>
    tpu.wait_indirect_dma semaphore(%dma_wait3A_353 : memref<!tpu.dma_semaphore, #tpu.memory_space<semaphore_mem>>) src(%dma_wait3A_351 : memref<128x128xf32, #tpu.memory_space<vmem_shared>>) dst(%dma_wait3A_345 : memref<128x128xf32, #tpu.memory_space<vmem>>)
    %add3A_354 = arith.constant 198 : i32
    %add3A_355 = arith.addi %mul3A_6, %add3A_354 : i32
    %dma_start3A_356 = arith.constant 0 : i32
    %dma_start3A_357 = arith.constant 0 : i32
    %dma_start3A_358 = arith.constant 0 : i32
    %dma_start3A_359 = arith.constant 0 : i32
    %dma_start3A_360 = arith.constant 0 : i32
    %dma_start3A_361 = tpu.memref_slice %arg7[%dma_start3A_356, %dma_start3A_358, %dma_start3A_359, %dma_start3A_360] : memref<3x2x128x128xf32, #tpu.memory_space<vmem>> -> memref<1x2x128x128xf32, #tpu.memory_space<vmem>>
    %dma_start3A_362 = tpu.memref_squeeze %dma_start3A_361 : memref<1x2x128x128xf32, #tpu.memory_space<vmem>> -> memref<2x128x128xf32, #tpu.memory_space<vmem>>
    %dma_start3A_363 = arith.constant 0 : i32
    %dma_start3A_364 = arith.constant 0 : i32
    %dma_start3A_365 = tpu.memref_slice %arg4[%add3A_355, %dma_start3A_363, %dma_start3A_364] : memref<6400x128x128xf32, #tpu.memory_space<hbm>> -> memref<2x128x128xf32, #tpu.memory_space<hbm>>
    %dma_start3A_366 = tpu.memref_slice %arg9[%dma_start3A_357] : memref<3x!tpu.dma_semaphore, #tpu.memory_space<semaphore_mem>> -> memref<1x!tpu.dma_semaphore, #tpu.memory_space<semaphore_mem>>
    %dma_start3A_367 = tpu.memref_squeeze %dma_start3A_366 : memref<1x!tpu.dma_semaphore, #tpu.memory_space<semaphore_mem>> -> memref<!tpu.dma_semaphore, #tpu.memory_space<semaphore_mem>>
    %dma_start3A_368 = arith.constant 0 : i32
    %dma_start3A_369 = arith.constant 0 : i32
    %dma_start3A_370 = tpu.memref_slice %arg4[%add3A_355, %dma_start3A_368, %dma_start3A_369] : memref<6400x128x128xf32, #tpu.memory_space<hbm>> -> memref<2x128x128xf32, #tpu.memory_space<hbm>>
    %dma_start3A_371 = arith.constant 0 : i32
    %dma_start3A_372 = arith.constant 0 : i32
    %dma_start3A_373 = arith.constant 0 : i32
    %dma_start3A_374 = tpu.memref_slice %arg7[%dma_start3A_356, %dma_start3A_371, %dma_start3A_372, %dma_start3A_373] : memref<3x2x128x128xf32, #tpu.memory_space<vmem>> -> memref<1x2x128x128xf32, #tpu.memory_space<vmem>>
    %dma_start3A_375 = tpu.memref_squeeze %dma_start3A_374 : memref<1x2x128x128xf32, #tpu.memory_space<vmem>> -> memref<2x128x128xf32, #tpu.memory_space<vmem>>
    tpu.enqueue_dma source(%dma_start3A_375 : memref<2x128x128xf32, #tpu.memory_space<vmem>>) target(%dma_start3A_370 : memref<2x128x128xf32, #tpu.memory_space<hbm>>) target_semaphore(%dma_start3A_367 : memref<!tpu.dma_semaphore, #tpu.memory_space<semaphore_mem>>)
    %add3A_376 = arith.constant 194 : i32
    %add3A_377 = arith.addi %mul3A_6, %add3A_376 : i32
    %dma_wait3A_378 = arith.constant 1 : i32
    %dma_wait3A_379 = arith.constant 1 : i32
    %dma_wait3A_380 = arith.constant 0 : i32
    %dma_wait3A_381 = arith.constant 0 : i32
    %dma_wait3A_382 = arith.constant 0 : i32
    %dma_wait3A_383 = tpu.memref_slice %arg7[%dma_wait3A_378, %dma_wait3A_380, %dma_wait3A_381, %dma_wait3A_382] : memref<3x2x128x128xf32, #tpu.memory_space<vmem>> -> memref<1x2x128x128xf32, #tpu.memory_space<vmem>>
    %dma_wait3A_384 = tpu.memref_squeeze %dma_wait3A_383 : memref<1x2x128x128xf32, #tpu.memory_space<vmem>> -> memref<2x128x128xf32, #tpu.memory_space<vmem>>
    %dma_wait3A_385 = arith.constant 0 : i32
    %dma_wait3A_386 = arith.constant 0 : i32
    %dma_wait3A_387 = tpu.memref_slice %arg4[%add3A_377, %dma_wait3A_385, %dma_wait3A_386] : memref<6400x128x128xf32, #tpu.memory_space<hbm>> -> memref<2x128x128xf32, #tpu.memory_space<hbm>>
    %dma_wait3A_388 = tpu.memref_slice %arg9[%dma_wait3A_379] : memref<3x!tpu.dma_semaphore, #tpu.memory_space<semaphore_mem>> -> memref<1x!tpu.dma_semaphore, #tpu.memory_space<semaphore_mem>>
    %dma_wait3A_389 = tpu.memref_squeeze %dma_wait3A_388 : memref<1x!tpu.dma_semaphore, #tpu.memory_space<semaphore_mem>> -> memref<!tpu.dma_semaphore, #tpu.memory_space<semaphore_mem>>
    %dma_wait3A_390 = arith.constant 0 : i32
    %dma_wait3A_391 = arith.constant 0 : i32
    %dma_wait3A_392 = tpu.memref_slice %arg4[%add3A_377, %dma_wait3A_390, %dma_wait3A_391] : memref<6400x128x128xf32, #tpu.memory_space<hbm>> -> memref<2x128x128xf32, #tpu.memory_space<hbm>>
    %dma_wait3A_393 = arith.constant 0 : i32
    %dma_wait3A_394 = arith.constant 0 : i32
    %dma_wait3A_395 = arith.constant 0 : i32
    %dma_wait3A_396 = tpu.memref_slice %arg7[%dma_wait3A_378, %dma_wait3A_393, %dma_wait3A_394, %dma_wait3A_395] : memref<3x2x128x128xf32, #tpu.memory_space<vmem>> -> memref<1x2x128x128xf32, #tpu.memory_space<vmem>>
    %dma_wait3A_397 = tpu.memref_squeeze %dma_wait3A_396 : memref<1x2x128x128xf32, #tpu.memory_space<vmem>> -> memref<2x128x128xf32, #tpu.memory_space<vmem>>
    tpu.wait_dma2 semaphore(%dma_wait3A_389 : memref<!tpu.dma_semaphore, #tpu.memory_space<semaphore_mem>>) src(%dma_wait3A_397 : memref<2x128x128xf32, #tpu.memory_space<vmem>>) dst(%dma_wait3A_392 : memref<2x128x128xf32, #tpu.memory_space<hbm>>)
    %add3A_398 = arith.constant 196 : i32
    %add3A_399 = arith.addi %mul3A_6, %add3A_398 : i32
    %dma_wait3A_400 = arith.constant 2 : i32
    %dma_wait3A_401 = arith.constant 2 : i32
    %dma_wait3A_402 = arith.constant 0 : i32
    %dma_wait3A_403 = arith.constant 0 : i32
    %dma_wait3A_404 = arith.constant 0 : i32
    %dma_wait3A_405 = tpu.memref_slice %arg7[%dma_wait3A_400, %dma_wait3A_402, %dma_wait3A_403, %dma_wait3A_404] : memref<3x2x128x128xf32, #tpu.memory_space<vmem>> -> memref<1x2x128x128xf32, #tpu.memory_space<vmem>>
    %dma_wait3A_406 = tpu.memref_squeeze %dma_wait3A_405 : memref<1x2x128x128xf32, #tpu.memory_space<vmem>> -> memref<2x128x128xf32, #tpu.memory_space<vmem>>
    %dma_wait3A_407 = arith.constant 0 : i32
    %dma_wait3A_408 = arith.constant 0 : i32
    %dma_wait3A_409 = tpu.memref_slice %arg4[%add3A_399, %dma_wait3A_407, %dma_wait3A_408] : memref<6400x128x128xf32, #tpu.memory_space<hbm>> -> memref<2x128x128xf32, #tpu.memory_space<hbm>>
    %dma_wait3A_410 = tpu.memref_slice %arg9[%dma_wait3A_401] : memref<3x!tpu.dma_semaphore, #tpu.memory_space<semaphore_mem>> -> memref<1x!tpu.dma_semaphore, #tpu.memory_space<semaphore_mem>>
    %dma_wait3A_411 = tpu.memref_squeeze %dma_wait3A_410 : memref<1x!tpu.dma_semaphore, #tpu.memory_space<semaphore_mem>> -> memref<!tpu.dma_semaphore, #tpu.memory_space<semaphore_mem>>
    %dma_wait3A_412 = arith.constant 0 : i32
    %dma_wait3A_413 = arith.constant 0 : i32
    %dma_wait3A_414 = tpu.memref_slice %arg4[%add3A_399, %dma_wait3A_412, %dma_wait3A_413] : memref<6400x128x128xf32, #tpu.memory_space<hbm>> -> memref<2x128x128xf32, #tpu.memory_space<hbm>>
    %dma_wait3A_415 = arith.constant 0 : i32
    %dma_wait3A_416 = arith.constant 0 : i32
    %dma_wait3A_417 = arith.constant 0 : i32
    %dma_wait3A_418 = tpu.memref_slice %arg7[%dma_wait3A_400, %dma_wait3A_415, %dma_wait3A_416, %dma_wait3A_417] : memref<3x2x128x128xf32, #tpu.memory_space<vmem>> -> memref<1x2x128x128xf32, #tpu.memory_space<vmem>>
    %dma_wait3A_419 = tpu.memref_squeeze %dma_wait3A_418 : memref<1x2x128x128xf32, #tpu.memory_space<vmem>> -> memref<2x128x128xf32, #tpu.memory_space<vmem>>
    tpu.wait_dma2 semaphore(%dma_wait3A_411 : memref<!tpu.dma_semaphore, #tpu.memory_space<semaphore_mem>>) src(%dma_wait3A_419 : memref<2x128x128xf32, #tpu.memory_space<vmem>>) dst(%dma_wait3A_414 : memref<2x128x128xf32, #tpu.memory_space<hbm>>)
    %add3A_420 = arith.constant 198 : i32
    %add3A_421 = arith.addi %mul3A_6, %add3A_420 : i32
    %dma_wait3A_422 = arith.constant 0 : i32
    %dma_wait3A_423 = arith.constant 0 : i32
    %dma_wait3A_424 = arith.constant 0 : i32
    %dma_wait3A_425 = arith.constant 0 : i32
    %dma_wait3A_426 = arith.constant 0 : i32
    %dma_wait3A_427 = tpu.memref_slice %arg7[%dma_wait3A_422, %dma_wait3A_424, %dma_wait3A_425, %dma_wait3A_426] : memref<3x2x128x128xf32, #tpu.memory_space<vmem>> -> memref<1x2x128x128xf32, #tpu.memory_space<vmem>>
    %dma_wait3A_428 = tpu.memref_squeeze %dma_wait3A_427 : memref<1x2x128x128xf32, #tpu.memory_space<vmem>> -> memref<2x128x128xf32, #tpu.memory_space<vmem>>
    %dma_wait3A_429 = arith.constant 0 : i32
    %dma_wait3A_430 = arith.constant 0 : i32
    %dma_wait3A_431 = tpu.memref_slice %arg4[%add3A_421, %dma_wait3A_429, %dma_wait3A_430] : memref<6400x128x128xf32, #tpu.memory_space<hbm>> -> memref<2x128x128xf32, #tpu.memory_space<hbm>>
    %dma_wait3A_432 = tpu.memref_slice %arg9[%dma_wait3A_423] : memref<3x!tpu.dma_semaphore, #tpu.memory_space<semaphore_mem>> -> memref<1x!tpu.dma_semaphore, #tpu.memory_space<semaphore_mem>>
    %dma_wait3A_433 = tpu.memref_squeeze %dma_wait3A_432 : memref<1x!tpu.dma_semaphore, #tpu.memory_space<semaphore_mem>> -> memref<!tpu.dma_semaphore, #tpu.memory_space<semaphore_mem>>
    %dma_wait3A_434 = arith.constant 0 : i32
    %dma_wait3A_435 = arith.constant 0 : i32
    %dma_wait3A_436 = tpu.memref_slice %arg4[%add3A_421, %dma_wait3A_434, %dma_wait3A_435] : memref<6400x128x128xf32, #tpu.memory_space<hbm>> -> memref<2x128x128xf32, #tpu.memory_space<hbm>>
    %dma_wait3A_437 = arith.constant 0 : i32
    %dma_wait3A_438 = arith.constant 0 : i32
    %dma_wait3A_439 = arith.constant 0 : i32
    %dma_wait3A_440 = tpu.memref_slice %arg7[%dma_wait3A_422, %dma_wait3A_437, %dma_wait3A_438, %dma_wait3A_439] : memref<3x2x128x128xf32, #tpu.memory_space<vmem>> -> memref<1x2x128x128xf32, #tpu.memory_space<vmem>>
    %dma_wait3A_441 = tpu.memref_squeeze %dma_wait3A_440 : memref<1x2x128x128xf32, #tpu.memory_space<vmem>> -> memref<2x128x128xf32, #tpu.memory_space<vmem>>
    tpu.wait_dma2 semaphore(%dma_wait3A_433 : memref<!tpu.dma_semaphore, #tpu.memory_space<semaphore_mem>>) src(%dma_wait3A_441 : memref<2x128x128xf32, #tpu.memory_space<vmem>>) dst(%dma_wait3A_436 : memref<2x128x128xf32, #tpu.memory_space<hbm>>)
    return
  }
}

module attributes {stable_mosaic.version = 14 : i64} {
  func.func @_table_body(%arg0: memref<128x128xf32, #tpu.memory_space<vmem>>, %arg1: memref<128x128xf32, #tpu.memory_space<vmem>>, %arg2: memref<1x128xf32, #tpu.memory_space<vmem>>, %arg3: memref<128x128xf32, #tpu.memory_space<vmem>>) attributes {dimension_semantics = [], scalar_prefetch = 0 : i64, scratch_operands = 0 : i64, tpu.core_type = #tpu.core_type<tc>} {
    %get3A = arith.constant 0 : index
    %get3A_0 = arith.constant 0 : index
    %get3A_1 = vector.load %arg0[%get3A, %get3A_0] : memref<128x128xf32, #tpu.memory_space<vmem>>, vector<128x128xf32>
    %get3A_2 = arith.constant 0 : index
    %get3A_3 = arith.constant 0 : index
    %get3A_4 = vector.load %arg1[%get3A_2, %get3A_3] : memref<128x128xf32, #tpu.memory_space<vmem>>, vector<128x128xf32>
    %dot_general3A = arith.constant dense<0.000000e+00> : vector<128x128xf32>
    %dot_general3A_5 = tpu.matmul %get3A_1, %get3A_4, %dot_general3A {dimension_numbers = #tpu.dot_dimension_numbers<[1], [1], [0], [0], [0, 0, 1, 0], [], []>, transpose_lhs_hint = false} : vector<128x128xf32>, vector<128x128xf32>, vector<128x128xf32> -> vector<128x128xf32>
    %get3A_6 = arith.constant 0 : index
    %get3A_7 = arith.constant 0 : index
    %get3A_8 = vector.load %arg2[%get3A_6, %get3A_7] : memref<1x128xf32, #tpu.memory_space<vmem>>, vector<1x128xf32>
    %add3A = vector.broadcast %get3A_8 : vector<1x128xf32> to vector<128x128xf32>
    %add3A_9 = arith.addf %dot_general3A_5, %add3A : vector<128x128xf32>
    %swap3A = arith.constant 0 : index
    %swap3A_10 = arith.constant 0 : index
    %swap3A_11 = vector.load %arg3[%swap3A, %swap3A_10] : memref<128x128xf32, #tpu.memory_space<vmem>>, vector<128x128xf32>
    tpu.vector_store %arg3[%swap3A, %swap3A_10], %add3A_9 {strides = array<i32>} : memref<128x128xf32, #tpu.memory_space<vmem>>, vector<128x128xf32>,
    return
  }
}

</mosaic_0001>

<sc_bundles>
// kernel: kernel.4.cloned.1.call-start
scs
__scs_entry_jumppad:
0x0: {  	(pc) =	sbr.rel $0x88, $3  }
0x1: {  	(tag) =	ssettag $0x0;
	lr =	simm.s32 $0x1  }
0x2: {  	[smem:$0x3F9D] =	sst lr;
	_ =	strace $0xD0000000  }
0x3: {  	_ = 	snop  }
0x4: {  	_ = 	snop  }
0x5: {  	_ = 	snop  }
0x6: {  	_ = 	snop  }
0x7: {  	_ = 	snop  }
__scs_overlays_trampoline_lowered:
0x8: {  	[smem:$0x3FAC] =	sst s0  }
0x9: {  	[smem:$0x3FAD] =	sst s1  }
0xa: {  	[smem:$0x3FAE] =	sst s2  }
0xb: {  	[smem:$0x3FAF] =	sst s3  }
0xc: {  	[smem:$0x3FB0] =	sst s4  }
0xd: {  	[smem:$0x3FB1] =	sst s5  }
0xe: {  	[smem:$0x3FB2] =	sst s6  }
0xf: {  	[smem:$0x3FB3] =	sst s7  }
0x10: {  	[smem:$0x3FB4] =	sst s8  }
0x11: {  	[smem:$0x3FB5] =	sst s9;
	s0 =	simm.s32 @!p0 $0x0  }
0x12: {  	s1 =	sld [smem:$0x3F9B];
	s0 =	simm.s32 @p0 $0x1  }
0x13: {  	[smem:$0x3FB6] =	sst s0;
	s0 =	simm.s32 @!p1 $0x0  }
0x14: {  	s2 =	sld [smem:$0x3F9A];
	s0 =	simm.s32 @p1 $0x1  }
0x15: {  	[smem:$0x3FB7] =	sst s0;
	s0 =	simm.s32 @!p2 $0x0  }
0x16: {  	s3 =	sld [smem:$0x3FDB];
	s0 =	simm.s32 @p2 $0x1  }
0x17: {  	s4 =	simm.s32 $0x1BF5;
	[smem:$0x3FB9] =	sst s0  }
0x18: {  	s0 =	sld [smem:$0x3F9C];
	_ =	swait.ge [sflag:s4], $0x0  }
0x19: {  	s7 =	sld [smem:$0x3F9D]  }
0x1a: {  	s8 =	sadd.s32 $0xFFFFE003, lr  }
0x1b: {  	s9 =	sadd.s32 $0xFFFFFEF7, lr;
	s5 =	simm.s32 $0xFFFFFFFF;
	p2 =	slt.u32 s8, $0xFFFFF086  }
0x1c: {  	p1 =	slt.u32 s9, $0xF7A;
	s5 =	simm.s32 @!p2 $0x0  }
0x1d: {  	s5 =	simm.s32 @p1 $0x1;
	p0 =	seq.s32 s7, s2  }
0x1e: {  	s7 =	smul.u32 @!p0 $0xF7A, s2;
	p2 =	seq.s32 @!p0 s5, $0x0  }
0x1f: {  	s9 =	smul.u32 $0xF7A, s1;
	s8 =	simm.s32 @!p0 $0x1BF5;
	p2 =	por !p2, p0  }
0x20: {  	[sflag:s8] =	ssyncset.s32 @!p0 $0xFFFFF086;
	s6 =	sadd.s32 @!p0 s3, s7;
	s7 =	simm.s32 @!p0 $0x108  }
0x21: {  	s3 =	sadd.s32 s3, s9;
	s6 =	sadd.s32 @!p0 $0x88, s6;
	s7 =	simm.s32 @p2 $0x1082  }
0x22: {  	[simem:s7], [sflag:s8] =	dma.local @!p0 [hbm:s6], $0xF7A  }
0x23: {  	s9 =	sor.u32 $0xD0000000, s2;
	s6 =	simm.s32 $0x108;
	_ =	swait.ge @!p0 [sflag:s8], $0x0  }
0x24: {  	s3 =	sadd.s32 $0x88, s3;
	s6 =	simm.s32 @!p1 $0x1082;
	[sflag:s4] =	ssyncset.s32 $0xFFFFF086  }
0x25: {  	[simem:s6], [sflag:s4] =	dma.local [hbm:s3], $0xF7A  }
0x26: {  	[smem:$0x3F9D] =	sst s1;
	(tag) =	ssettag s2;
	_ =	strace s9  }
0x27: {  	s1 =	sld [smem:$0x3FAD]  }
0x28: {  	s2 =	sld [smem:$0x3FAE]  }
0x29: {  	s4 =	sld [smem:$0x3FB0]  }
0x2a: {  	p0 =	seq.s32 s5, $0x0;
	s5 =	sld [smem:$0x3FB1]  }
0x2b: {  	s6 =	sld [smem:$0x3FB2]  }
0x2c: {  	s7 =	sld [smem:$0x3FB3]  }
0x2d: {  	s3 =	simm.s32 $0x108;
	s8 =	sld [smem:$0x3FB4]  }
0x2e: {  	s3 =	simm.s32 @!p0 $0x1082;
	s9 =	sld [smem:$0x3FB5]  }
0x2f: {  	lr =	sadd.s32 s0, s3;
	s0 =	sld [smem:$0x3FAC]  }
0x30: {  	s3 =	sld [smem:$0x3FAF]  }
0x31: {  	[smem:$0x3FB8] =	sst s10  }
0x32: {  	s10 =	sld [smem:$0x3FB6];
	_ =	sdelay $0x3  }
0x33: {  	p0 =	seq.s32 s10, $0x1;
	s10 =	sld [smem:$0x3FB8];
	_ =	sdelay $0x3  }
0x34: {  	[smem:$0x3FB8] =	sst s10  }
0x35: {  	s10 =	sld [smem:$0x3FB7];
	_ =	sdelay $0x3  }
0x36: {  	p1 =	seq.s32 s10, $0x1;
	s10 =	sld [smem:$0x3FB8];
	_ =	sdelay $0x3  }
0x37: {  	[smem:$0x3FB8] =	sst s10  }
0x38: {  	s10 =	sld [smem:$0x3FB9]  }
0x39: {  	_ = 	snop;
	(pc) =	sbr.ind lr, $3  }
0x3a: {  	_ = 	snop  }
0x3b: {  	_ = 	snop  }
0x3c: {  	p2 =	seq.s32 s10, $0x1;
	s10 =	sld [smem:$0x3FB8]  }
0x3d: {  	_ =	shalt  }
0x3e: {  	_ =	shalt  }
0x3f: {  	_ =	shalt  }
0x40: {  	_ =	shalt  }
0x41: {  	_ =	shalt  }
0x42: {  	_ =	shalt  }
0x43: {  	_ =	shalt  }
0x44: {  	_ =	shalt  }
0x45: {  	_ =	shalt  }
0x46: {  	_ =	shalt  }
0x47: {  	_ =	shalt  }
0x48: {  	_ =	shalt  }
0x49: {  	_ =	shalt  }
0x4a: {  	_ =	shalt  }
0x4b: {  	_ =	shalt  }
0x4c: {  	_ =	shalt  }
0x4d: {  	_ =	shalt  }
0x4e: {  	_ =	shalt  }
0x4f: {  	_ =	shalt  }
0x50: {  	_ =	shalt  }
0x51: {  	_ =	shalt  }
0x52: {  	_ =	shalt  }
0x53: {  	_ =	shalt  }
0x54: {  	_ =	shalt  }
0x55: {  	_ =	shalt  }
0x56: {  	_ =	shalt  }
0x57: {  	_ =	shalt  }
0x58: {  	_ =	shalt  }
0x59: {  	_ =	shalt  }
0x5a: {  	_ =	shalt  }
0x5b: {  	_ =	shalt  }
0x5c: {  	_ =	shalt  }
0x5d: {  	_ =	shalt  }
0x5e: {  	_ =	shalt  }
0x5f: {  	_ =	shalt  }
0x60: {  	_ =	shalt  }
0x61: {  	_ =	shalt  }
0x62: {  	_ =	shalt  }
0x63: {  	_ =	shalt  }
0x64: {  	_ =	shalt  }
0x65: {  	_ =	shalt  }
0x66: {  	_ =	shalt  }
0x67: {  	_ =	shalt  }
0x68: {  	_ =	shalt  }
0x69: {  	_ =	shalt  }
0x6a: {  	_ =	shalt  }
0x6b: {  	_ =	shalt  }
0x6c: {  	_ =	shalt  }
0x6d: {  	_ =	shalt  }
0x6e: {  	_ =	shalt  }
0x6f: {  	_ =	shalt  }
0x70: {  	_ =	shalt  }
0x71: {  	_ =	shalt  }
0x72: {  	_ =	shalt  }
0x73: {  	_ =	shalt  }
0x74: {  	_ =	shalt  }
0x75: {  	_ =	shalt  }
0x76: {  	_ =	shalt  }
0x77: {  	_ =	shalt  }
0x78: {  	_ =	shalt  }
0x79: {  	_ =	shalt  }
0x7a: {  	_ =	shalt  }
0x7b: {  	_ =	shalt  }
0x7c: {  	_ =	shalt  }
0x7d: {  	_ =	shalt  }
0x7e: {  	_ =	shalt  }
0x7f: {  	_ =	shalt  }
0x80: {  	_ =	shalt  }
0x81: {  	_ =	shalt  }
0x82: {  	_ =	shalt  }
0x83: {  	_ =	shalt  }
0x84: {  	_ =	shalt  }
0x85: {  	_ =	shalt  }
0x86: {  	_ =	shalt  }
0x87: {  	_ =	shalt  }
.Lfunc_end0:
.L_simem_size_0:
called_computation_lowered:
.L_overlay_start_0:
0x88: {  	s2 =	sld [smem:$0x3FD9]  }
0x89: {  	s3 =	sld [smem:$0x3FFE];
	_ =	sdelay $0x1  }
0x8a: {  	s1 =	srdreg.scid  }
0x8b: {  	s0 =	sand.u32 $0x1, s1  }
0x8c: {  	s17 =	sshll.u32 s0, $0xA;
	s2 =	sadd.s32 s3, s2  }
0x8d: {  	s2 =	sadd.s32 s2, s17  }
0x8e: {  	[smem:$0x3FC4] =	sst s2  }
0x8f: {  	_ = 	snop  }
0x90: {  	s2 =	sld [smem:$0x3FD0];
	(tm) =	ssettm $0x1  }
0x91: {  	s18 =	sld [smem:$0x3FFB];
	_ =	sdelay $0x3  }
0x92: {  	_ =	strace s18  }
0x93: {  	s3 =	sld [smem:$0x3FFC];
	_ =	sdelay $0x3  }
0x94: {  	_ =	strace s3  }
0x95: {  	s3 =	sld [smem:$0x3FFD];
	_ =	sdelay $0x3  }
0x96: {  	_ =	strace s3  }
0x97: {  	_ =	strace $0x8FFFFFFF  }
0x98: {  	s19 =	sld [smem:$0x3FDB];
	_ =	sdelay $0x1  }
0x99: {  	s4 =	simm.s32 $_scs_section_size  }
0x9a: {  	s5 =	simm.s32 $_size__tile_overlayer_lowered;
	s6 =	simm.s32 $_tile_overlayer_lowered  }
0x9b: {  	s22 =	simm.s32 $0x1BFF;
	s21 =	sshll.u32 s6, $0x1;
	s3 =	sadd.s32 s4, s19  }
0x9c: {  	s7 =	simm.s32 $0x0;
	s20 =	sshll.u32 s5, $0x1;
	s5 =	sadd.s32 s21, s3  }
0x9d: {  	[timem:s7], [sflag:s22] =	dma.local [hbm:s5], s20  }
0x9e: {  	_ =	swait.ge [sflag:s22], s20  }
0x9f: {  	s4 =	ssub.s32 $0x0, s20;
	[sflag:s22] =	ssyncset.done $0x0  }
0xa0: {  	[sflag:s22] =	ssyncadd.s32 s4;
	_ =	sdelay $0x1  }
0xa1: {  	s23 =	simm.s32 $0x1B8B  }
0xa2: {  	_ =	swait.ge [sflag:s23], $0x1  }
0xa3: {  	[sflag:s23] =	ssyncset.done $0x0  }
0xa4: {  	s25 =	simm.s32 $0x1B8E;
	s24 =	sld [smem:$0x3FFE];
	[sflag:s23] =	ssyncadd.s32 $0xFFFFFFFF  }
0xa5: {  	s26 =	simm.s32 $execute0_lowered;
	[smem:$0x3FD2] =	sst s25  }
0xa6: {  	s5 =	sshll.u32 s26, $0x1;
	_ =	strace $0x80000046;
	[dreg:$0x1] =	wrdreg $0xFFFFFFFF  }
0xa7: {  	s28 =	simm.s32 $_size_execute0_lowered;
	s3 =	sadd.s32 s3, s5;
	[dreg:$0x0] =	wrdreg $0x0  }
0xa8: {  	s5 =	sshll.u32 s28, $0x1;
	[dreg:$0x2] =	wrdreg s3  }
0xa9: {  	[dreg:$0x3] =	wrdreg s5  }
0xaa: {  	[dreg:$0x4] =	wrdreg $0xC0  }
0xab: {  	_ =	task [dreg:s7], $0x5FFFF  }
0xac: {  	[dreg:$0x1] =	wrdreg $0xFFFFFFFF  }
0xad: {  	[dreg:$0x0] =	wrdreg $0x60  }
0xae: {  	[dreg:$0x2] =	wrdreg s24  }
0xaf: {  	[dreg:$0x3] =	wrdreg s2  }
0xb0: {  	[dreg:$0x4] =	wrdreg $0x0  }
0xb1: {  	[dreg:$0x5] =	wrdreg $0x9  }
0xb2: {  	_ =	task.clear_ibuf [dreg:s7], $0x6FFFF;
	_ =	strace $0x90000046  }
0xb3: {  	s29 =	simm.s32 $0x9;
	_ =	strace $0x80000048  }
0xb4: {  	_ =	swait.ge [sflag:s29], $0x1  }
0xb5: {  	[sflag:s29] =	ssyncadd.s32 $0xFFFFFFFF  }
0xb6: {  	_ =	strace $0x90000048  }
0xb7: {  	_ =	sfence  }
0xb8: {  	s30 =	sld [smem:$0x0];
	_ =	sdelay $0x2  }
0xb9: {  	s31 =	sshll.u32 s1, $0xD;
	s1 =	sshrl.u32 s1, $0x2  }
0xba: {  	s3 =	sand.u32 $0x4000, s31;
	s1 =	sadd.s32 s1, s30  }
0xbb: {  	s0 =	sor.u32 s3, s0;
	s1 =	sshll.u32 s1, $0x11  }
0xbc: {  	s0 =	sor.u32 s1, s0  }
0xbd: {  	s0 =	sadd.s32 $0x8F2B, s0  }
0xbe: {  	[sflag:s0] =	ssyncadd.remote.s32 $0x1  }
0xbf: {  	_ =	sfence.sel $0xFFFF  }
0xc0: {  	[dreg:$0x0] =	wrdreg $0xFFFFFFFF;
	(pc) =	sbr.abs _section_cstart, $3  }
0xc1: {  	[dreg:$0x1] =	wrdreg $0xFFFFFFFF  }
0xc2: {  	_ =	task.clear_ibuf [dreg:s7], $0x2FFFF;
	_ =	strace $0x9FFFFFFF  }
0xc3: {  	(tm) =	ssettm $0x7FFFFFFF  }
tec
execute0_lowered:
.L_overlay_start_1:
0x0: {  	(tag) =	ssettag $0x1  }
0x1: {  	s0 =	rddreg [dreg:$0x0]  }
0x2: {  	s1 =	srdreg.scid;
	s3 =	stileid.u32  }
0x3: {  	s4 =	rddreg [dreg:$0x1];
	s14 =	simm.s32 $0x400;
	s15 =	simm.s32 $0x7  }
0x4: {  	s16 =	simm.s32 $0x80;
	s17 =	simm.s32 $0x6800;
	s19 =	simm.s32 $0xA800  }
0x5: {  	s20 =	simm.s32 $0x1;
	s22 =	simm.s32 $0xE800;
	s28 =	simm.s32 $0x16800  }
0x6: {  	s30 =	simm.s32 $0x1A800;
	s31 =	simm.s32 $0x3;
	s29 =	simm.s32 $0x0  }
0x7: {  	s5 =	sand.u32 $0x1, s1;
	s2 =	sshll.u32 s3, $0x1;
	s1 =	rddreg [dreg:$0x2]  }
0x8: {  	s10 =	smul.u32 $0x190, s3;
	s11 =	sadd.s32 $0x19C00, s0;
	p0 =	sne.s32 s3, $0x0  }
0x9: {  	s6 =	sor.u32 s5, s2;
	s2 =	simm.s32 $0x0;
	s12 =	smul.u32 $0xC8, s5  }
0xa: {  	s9 =	ssub.s32 $0x2, s5;
	s13 =	sshrl.u32 @!p0 s1, $0x3;
	s7 =	smul.u32 $0xC80, s6  }
0xb: {  	[smem:$0x7FF] =	sst s2;
	s8 =	smul.u32 $0x64000, s6;
	s23 =	sshrl.u32 s9, $0x1  }
0xc: {  	s6 =	smul.u32 $0x320000, s6;
	_ =	strace $0x80000047;
	[dreg:$0x4] =	wrdreg s11  }
0xd: {  	s9 =	ssub.s32 s9, s23;
	s24 =	sadd.s32 s12, s10;
	s0 =	sadd.s32 s7, s0  }
0xe: {  	s23 =	simm.s32 $0x5;
	s5 =	sadd.s32 s4, s8;
	s0 =	sadd.s32 $0xC00, s0  }
0xf: {  	s6 =	sshrl.u32 s6, $0x3;
	s25 =	sadd.s32 $0x1000, s5;
	[dreg:$0x5] =	wrdreg s0  }
0x10: {  	s9 =	smax.u32 s9, $0x1;
	s26 =	sadd.s32 $0x2000, s5;
	[dreg:$0x6] =	wrdreg s25  }
0x11: {  	s6 =	sadd.s32 s4, s6;
	s0 =	sshll.u32 s24, $0xB;
	[dreg:$0x7] =	wrdreg s26  }
0x12: {  	s8 =	sadd.s32 $0x63000, s6;
	s24 =	simm.s32 $0x12800;
	s0 =	sadd.s32 s0, s4  }
0x13: {  	s25 =	simm.s32 $0x2;
	s26 =	simm.s32 $0x6;
	s10 =	sadd.s32 $0x5000, s0  }
0x14: {  	s11 =	sadd.s32 $0x4000, s0;
	s12 =	sadd.s32 $0x3000, s0;
	s0 =	simm.s32 $0x4  }
.LBB2_1:
0x15: {  	s3 =	simm.s32 @!p0 $0x1C07;
	s4 =	rddreg [dreg:$0x4]  }
0x16: {  	[spmem:s13], [sflag:s3] =	dma.local @!p0 [hbm:s4], $0x800  }
0x17: {  	s3 =	simm.s32 @!p0 $0x7  }
0x18: {  	_ =	swait.ge @!p0 [sflag:s3], $0x800  }
0x19: {  	[sflag:s3] =	ssyncset.done @!p0 $0x0  }
0x1a: {  	s4 =	rddreg [dreg:$0x5];
	[sflag:s3] =	ssyncadd.s32 @!p0 $0xFFFFF800  }
0x1b: {  	[tilespmem:s14], [sflag:$0x7] =	stream.linear.gather [hbm4b:s4+s2], $0x6400, $0x38;
	[tilespmem:$0x1E800] =	vst v63  }
0x1c: {  	_ =	swait.ge [sflag:s15], $0x6400  }
0x1d: {  	[sflag:s15] =	ssyncset.done $0x0  }
0x1e: {  	[sflag:s15] =	ssyncadd.s32 $0xFFFF9C00  }
0x1f: {  	[bflag:$0x0] =	sbarrier.arrive $0xFFFF  }
0x20: {  	[tilespmem:s17], [sflag:$0x1] =	stream.indirect.gather [spmem:s1], $0x80, s14, s16, $0xb8;
	[tilespmem:$0x1E800] =	vst v63  }
0x21: {  	s6 =	simm.s32 $0x480  }
0x22: {  	[tilespmem:s19], [sflag:$0x1] =	stream.indirect.gather [spmem:s1], $0x80, s6, s16, $0xb8;
	[tilespmem:$0x1E800] =	vst v63  }
0x23: {  	_ =	swait.ge [sflag:s20], $0x4000  }
0x24: {  	[sflag:s20] =	ssyncset.done $0x0  }
0x25: {  	[sflag:s20] =	ssyncadd.s32 $0xFFFFC000  }
0x26: {  	_ =	swait.ge [sflag:s20], $0x4000  }
0x27: {  	[sflag:s20] =	ssyncset.done $0x0  }
0x28: {  	[sflag:s20] =	ssyncadd.s32 $0xFFFFC000  }
0x29: {  	[hbm4b:s5+s2] =	stream.linear.scatter [tilespmem:s17], [sflag:$0x4], $0x8000, $0x38;
	[tilespmem:$0x1E800] =	vst v63  }
0x2a: {  	s7 =	simm.s32 $0x500  }
0x2b: {  	[tilespmem:s22], [sflag:$0x2] =	stream.indirect.gather [spmem:s1], $0x80, s7, s16, $0xb8;
	[tilespmem:$0x1E800] =	vst v63  }
0x2c: {  	s18 =	simm.s32 $0x580  }
0x2d: {  	[tilespmem:s24], [sflag:$0x2] =	stream.indirect.gather [spmem:s1], $0x80, s18, s16, $0xb8;
	[tilespmem:$0x1E800] =	vst v63  }
0x2e: {  	_ =	swait.ge [sflag:s25], $0x4000  }
0x2f: {  	[sflag:s25] =	ssyncset.done $0x0  }
0x30: {  	[sflag:s25] =	ssyncadd.s32 $0xFFFFC000  }
0x31: {  	_ =	swait.ge [sflag:s25], $0x4000  }
0x32: {  	[sflag:s25] =	ssyncset.done $0x0  }
0x33: {  	s21 =	rddreg [dreg:$0x6];
	[sflag:s25] =	ssyncadd.s32 $0xFFFFC000  }
0x34: {  	[hbm4b:s21+s2] =	stream.linear.scatter [tilespmem:s22], [sflag:$0x5], $0x8000, $0x38;
	[tilespmem:$0x1E800] =	vst v63  }
0x35: {  	s4 =	simm.s32 $0x600  }
0x36: {  	[tilespmem:s28], [sflag:$0x3] =	stream.indirect.gather [spmem:s1], $0x80, s4, s16, $0xb8;
	[tilespmem:$0x1E800] =	vst v63  }
0x37: {  	s6 =	simm.s32 $0x680  }
0x38: {  	[tilespmem:s30], [sflag:$0x3] =	stream.indirect.gather [spmem:s1], $0x80, s6, s16, $0xb8;
	[tilespmem:$0x1E800] =	vst v63  }
0x39: {  	_ =	swait.ge [sflag:s31], $0x4000  }
0x3a: {  	[sflag:s31] =	ssyncset.done $0x0  }
0x3b: {  	[sflag:s31] =	ssyncadd.s32 $0xFFFFC000  }
0x3c: {  	_ =	swait.ge [sflag:s31], $0x4000  }
0x3d: {  	[sflag:s31] =	ssyncset.done $0x0  }
0x3e: {  	s7 =	rddreg [dreg:$0x7];
	[sflag:s31] =	ssyncadd.s32 $0xFFFFC000  }
0x3f: {  	[hbm4b:s7+s2] =	stream.linear.scatter [tilespmem:s28], [sflag:$0x6], $0x8000, $0x38;
	[tilespmem:$0x1E800] =	vst v63  }
0x40: {  	_ =	swait.ge [sflag:s0], $0x8000  }
0x41: {  	[sflag:s0] =	ssyncset.done $0x0  }
0x42: {  	s18 =	simm.s32 $0x700;
	[sflag:s0] =	ssyncadd.s32 $0xFFFF8000  }
0x43: {  	[tilespmem:s17], [sflag:$0x1] =	stream.indirect.gather [spmem:s1], $0x80, s18, s16, $0xb8;
	[tilespmem:$0x1E800] =	vst v63  }
0x44: {  	s21 =	simm.s32 $0x780  }
0x45: {  	[tilespmem:s19], [sflag:$0x1] =	stream.indirect.gather [spmem:s1], $0x80, s21, s16, $0xb8;
	[tilespmem:$0x1E800] =	vst v63  }
0x46: {  	_ =	swait.ge [sflag:s20], $0x4000  }
0x47: {  	[sflag:s20] =	ssyncset.done $0x0  }
0x48: {  	[sflag:s20] =	ssyncadd.s32 $0xFFFFC000  }
0x49: {  	_ =	swait.ge [sflag:s20], $0x4000  }
0x4a: {  	[sflag:s20] =	ssyncset.done $0x0  }
0x4b: {  	[sflag:s20] =	ssyncadd.s32 $0xFFFFC000  }
0x4c: {  	[hbm4b:s12+s2] =	stream.linear.scatter [tilespmem:s17], [sflag:$0x4], $0x8000, $0x38;
	[tilespmem:$0x1E800] =	vst v63  }
0x4d: {  	_ =	swait.ge [sflag:s23], $0x8000  }
0x4e: {  	[sflag:s23] =	ssyncset.done $0x0  }
0x4f: {  	s4 =	simm.s32 $0x800;
	[sflag:s23] =	ssyncadd.s32 $0xFFFF8000  }
0x50: {  	[tilespmem:s22], [sflag:$0x2] =	stream.indirect.gather [spmem:s1], $0x80, s4, s16, $0xb8;
	[tilespmem:$0x1E800] =	vst v63  }
0x51: {  	s6 =	simm.s32 $0x880  }
0x52: {  	[tilespmem:s24], [sflag:$0x2] =	stream.indirect.gather [spmem:s1], $0x80, s6, s16, $0xb8;
	[tilespmem:$0x1E800] =	vst v63  }
0x53: {  	_ =	swait.ge [sflag:s25], $0x4000  }
0x54: {  	[sflag:s25] =	ssyncset.done $0x0  }
0x55: {  	[sflag:s25] =	ssyncadd.s32 $0xFFFFC000  }
0x56: {  	_ =	swait.ge [sflag:s25], $0x4000  }
0x57: {  	[sflag:s25] =	ssyncset.done $0x0  }
0x58: {  	[sflag:s25] =	ssyncadd.s32 $0xFFFFC000  }
0x59: {  	[hbm4b:s11+s2] =	stream.linear.scatter [tilespmem:s22], [sflag:$0x5], $0x8000, $0x38;
	[tilespmem:$0x1E800] =	vst v63  }
0x5a: {  	_ =	swait.ge [sflag:s26], $0x8000  }
0x5b: {  	[sflag:s26] =	ssyncset.done $0x0  }
0x5c: {  	s7 =	simm.s32 $0x900;
	[sflag:s26] =	ssyncadd.s32 $0xFFFF8000  }
0x5d: {  	[tilespmem:s28], [sflag:$0x3] =	stream.indirect.gather [spmem:s1], $0x80, s7, s16, $0xb8;
	[tilespmem:$0x1E800] =	vst v63  }
0x5e: {  	s18 =	simm.s32 $0x980  }
0x5f: {  	[tilespmem:s30], [sflag:$0x3] =	stream.indirect.gather [spmem:s1], $0x80, s18, s16, $0xb8;
	[tilespmem:$0x1E800] =	vst v63  }
0x60: {  	_ =	swait.ge [sflag:s31], $0x4000  }
0x61: {  	[sflag:s31] =	ssyncset.done $0x0  }
0x62: {  	[sflag:s31] =	ssyncadd.s32 $0xFFFFC000  }
0x63: {  	_ =	swait.ge [sflag:s31], $0x4000  }
0x64: {  	[sflag:s31] =	ssyncset.done $0x0  }
0x65: {  	[sflag:s31] =	ssyncadd.s32 $0xFFFFC000  }
0x66: {  	[hbm4b:s10+s2] =	stream.linear.scatter [tilespmem:s28], [sflag:$0x6], $0x8000, $0x38;
	[tilespmem:$0x1E800] =	vst v63  }
0x67: {  	_ =	swait.ge [sflag:s0], $0x8000  }
0x68: {  	s3 =	sadd.s32 $0x3000, s10;
	[sflag:s0] =	ssyncset.done $0x0  }
0x69: {  	s21 =	simm.s32 $0xA00;
	s4 =	sadd.s32 $0x3000, s11;
	[sflag:s0] =	ssyncadd.s32 $0xFFFF8000  }
0x6a: {  	[tilespmem:s17], [sflag:$0x1] =	stream.indirect.gather [spmem:s1], $0x80, s21, s16, $0xb8;
	[tilespmem:$0x1E800] =	vst v63  }
0x6b: {  	s6 =	simm.s32 $0xA80;
	s18 =	simm.s32 $0xC00;
	s21 =	sadd.s32 $0x3000, s12  }
.LBB2_2:
0x6c: {  	[tilespmem:s19], [sflag:$0x1] =	stream.indirect.gather [spmem:s1], $0x80, s6, s16, $0xb8;
	[tilespmem:$0x1E800] =	vst v63  }
0x6d: {  	s6 =	smov.u32 s18  }
0x6e: {  	p1 =	sne.s32 s18, $0x17400;
	s18 =	sadd.s32 $0xC00, s18;
	_ =	swait.ge [sflag:s20], $0x4000  }
0x6f: {  	[sflag:s20] =	ssyncset.done $0x0  }
0x70: {  	[sflag:s20] =	ssyncadd.s32 $0xFFFFC000  }
0x71: {  	_ =	swait.ge [sflag:s20], $0x4000  }
0x72: {  	[sflag:s20] =	ssyncset.done $0x0  }
0x73: {  	[sflag:s20] =	ssyncadd.s32 $0xFFFFC000  }
0x74: {  	[hbm4b:s21+s2] =	stream.linear.scatter [tilespmem:s17], [sflag:$0x4], $0x8000, $0x38;
	[tilespmem:$0x1E800] =	vst v63  }
0x75: {  	_ =	swait.ge [sflag:s23], $0x8000  }
0x76: {  	s6 =	sshra.s32 s6, $0x2;
	[sflag:s23] =	ssyncset.done $0x0  }
0x77: {  	s7 =	sadd.s32 $0x800, s6;
	[sflag:s23] =	ssyncadd.s32 $0xFFFF8000  }
0x78: {  	[tilespmem:s22], [sflag:$0x2] =	stream.indirect.gather [spmem:s1], $0x80, s7, s16, $0xb8;
	[tilespmem:$0x1E800] =	vst v63  }
0x79: {  	s7 =	sadd.s32 $0x880, s6  }
0x7a: {  	[tilespmem:s24], [sflag:$0x2] =	stream.indirect.gather [spmem:s1], $0x80, s7, s16, $0xb8;
	[tilespmem:$0x1E800] =	vst v63  }
0x7b: {  	_ =	swait.ge [sflag:s25], $0x4000  }
0x7c: {  	[sflag:s25] =	ssyncset.done $0x0  }
0x7d: {  	[sflag:s25] =	ssyncadd.s32 $0xFFFFC000  }
0x7e: {  	_ =	swait.ge [sflag:s25], $0x4000  }
0x7f: {  	[sflag:s25] =	ssyncset.done $0x0  }
0x80: {  	[sflag:s25] =	ssyncadd.s32 $0xFFFFC000  }
0x81: {  	[hbm4b:s4+s2] =	stream.linear.scatter [tilespmem:s22], [sflag:$0x5], $0x8000, $0x38;
	[tilespmem:$0x1E800] =	vst v63  }
0x82: {  	_ =	swait.ge [sflag:s26], $0x8000  }
0x83: {  	[sflag:s26] =	ssyncset.done $0x0  }
0x84: {  	s7 =	sadd.s32 $0x900, s6;
	[sflag:s26] =	ssyncadd.s32 $0xFFFF8000  }
0x85: {  	[tilespmem:s28], [sflag:$0x3] =	stream.indirect.gather [spmem:s1], $0x80, s7, s16, $0xb8;
	[tilespmem:$0x1E800] =	vst v63  }
0x86: {  	s7 =	sadd.s32 $0x980, s6  }
0x87: {  	[tilespmem:s30], [sflag:$0x3] =	stream.indirect.gather [spmem:s1], $0x80, s7, s16, $0xb8;
	[tilespmem:$0x1E800] =	vst v63  }
0x88: {  	_ =	swait.ge [sflag:s31], $0x4000  }
0x89: {  	[sflag:s31] =	ssyncset.done $0x0  }
0x8a: {  	[sflag:s31] =	ssyncadd.s32 $0xFFFFC000  }
0x8b: {  	_ =	swait.ge [sflag:s31], $0x4000  }
0x8c: {  	[sflag:s31] =	ssyncset.done $0x0  }
0x8d: {  	[sflag:s31] =	ssyncadd.s32 $0xFFFFC000  }
0x8e: {  	[hbm4b:s3+s2] =	stream.linear.scatter [tilespmem:s28], [sflag:$0x6], $0x8000, $0x38;
	[tilespmem:$0x1E800] =	vst v63  }
.Ltmp0:
0x8f: {  	_ =	swait.ge [sflag:s0], $0x8000;
	(pc) =	sbr.rel @p1 .LBB2_2-.Ltmp0, $4  }
0x90: {  	[sflag:s0] =	ssyncset.done $0x0  }
0x91: {  	s21 =	sadd.s32 $0x3000, s21;
	s7 =	sadd.s32 $0xA00, s6;
	[sflag:s0] =	ssyncadd.s32 $0xFFFF8000  }
0x92: {  	[tilespmem:s17], [sflag:$0x1] =	stream.indirect.gather [spmem:s1], $0x80, s7, s16, $0xb8;
	[tilespmem:$0x1E800] =	vst v63  }
0x93: {  	s4 =	sadd.s32 $0x3000, s4;
	s6 =	sadd.s32 $0xA80, s6;
	s3 =	sadd.s32 $0x3000, s3  }
0x94: {  	[tilespmem:s19], [sflag:$0x1] =	stream.indirect.gather [spmem:s1], $0x80, s6, s16, $0xb8;
	[tilespmem:$0x1E800] =	vst v63  }
0x95: {  	_ =	swait.ge [sflag:s20], $0x4000  }
0x96: {  	[sflag:s20] =	ssyncset.done $0x0  }
0x97: {  	[sflag:s20] =	ssyncadd.s32 $0xFFFFC000  }
0x98: {  	_ =	swait.ge [sflag:s20], $0x4000  }
0x99: {  	[sflag:s20] =	ssyncset.done $0x0  }
0x9a: {  	[sflag:s20] =	ssyncadd.s32 $0xFFFFC000  }
0x9b: {  	[hbm4b:s8+s2] =	stream.linear.scatter [tilespmem:s17], [sflag:$0x4], $0x8000, $0x38;
	[tilespmem:$0x1E800] =	vst v63  }
0x9c: {  	_ =	swait.ge [sflag:s23], $0x8000  }
0x9d: {  	[sflag:s23] =	ssyncset.done $0x0  }
0x9e: {  	s29 =	sadd.s32 $0x1, s29;
	[sflag:s23] =	ssyncadd.s32 $0xFFFF8000  }
0x9f: {  	p1 =	sne.s32 s29, s9;
	_ =	swait.ge [sflag:s26], $0x8000  }
.Ltmp1:
0xa0: {  	[sflag:s26] =	ssyncset.done $0x0;
	(pc) =	sbr.rel @p1 .LBB2_1-.Ltmp1, $4  }
0xa1: {  	[sflag:s26] =	ssyncadd.s32 $0xFFFF8000  }
0xa2: {  	_ =	swait.ge [sflag:s0], $0x8000  }
0xa3: {  	[sflag:s0] =	ssyncset.done $0x0  }
0xa4: {  	[sflag:s0] =	ssyncadd.s32 $0xFFFF8000  }
0xa5: {  	_ =	sfence.sel $0x180000  }
0xa6: {  	[bflag:$0x0] =	sbarrier.arrive $0xFFFF  }
0xa7: {  	_ =	strace $0x90000047  }
0xa8: {  	[bflag:$0x2] =	sbarrier.arrive $0xFFFF  }
0xa9: {  	s0 =	rddreg [dreg:$0x3]  }
0xaa: {  	s0 =	sadd.s32 @!p0 $0x100000, s0  }
0xab: {  	[sflag:s0] =	ssyncadd.tile.s32 @!p0 $0x1;
	_ =	shalt  }
.Lfunc_end2:
_tile_overlayer_lowered:
.L_overlay_start_2:
0xac: {  	(tag) =	ssettag $0x2  }
0xad: {  	s0 =	rddreg [dreg:$0x0];
	s2 =	stileid.u32  }
0xae: {  	s1 =	rddreg [dreg:$0x1];
	p0 =	sne.s32 s2, $0x0  }
0xaf: {  	s3 =	rddreg [dreg:$0x2];
	[bflag:$0x3] =	sbarrier.arrive $0xFFFF;
	s2 =	simm.s32 @!p0 $0x1C07  }
0xb0: {  	[timem:s3], [sflag:s2] =	dma.local @!p0 [hbm:s0], s1  }
0xb1: {  	s0 =	simm.s32 @!p0 $0x7  }
0xb2: {  	_ =	swait.ge @!p0 [sflag:s0], s1  }
0xb3: {  	s1 =	ssub.s32 @!p0 $0x0, s1;
	[sflag:s0] =	ssyncset.done @!p0 $0x0  }
0xb4: {  	[sflag:s0] =	ssyncadd.s32 @!p0 s1  }
0xb5: {  	[bflag:$0x3] =	sbarrier.arrive $0xFFFF  }
0xb6: {  	_ =	shalt  }

</sc_bundles>
